<compile_context>
chip_gen: v7x
topology: tpu7x:2x2x1
jax: 0.10.2.dev20260603
libtpu: 0.0.44.dev20260713+nightly
codegen_flags: <defaults>
</compile_context>

<pallas_src>
import functools

import jax
import jax.numpy as jnp
from jax import lax
from jax.experimental import pallas as pl
from jax.experimental.pallas import tpu as pltpu
from jax.experimental.pallas import tpu_sc as plsc

N = 10000
D = 128
C = 500
CPAD = 512
W = 64
XBLK = 2
SBLK = 8
NPAD = 10240
ROWS_PER_TILE = NPAD // 16
BATCH = 128
ROW_TILE = 1000

_mesh = plsc.VectorSubcoreMesh(core_axis_name="c", subcore_axis_name="s")


def _zero_zbuf(zbuf):
    zero16 = jnp.zeros((16,), jnp.float32)
    per_row = W // 16

    def body(i, carry):
        r = i // per_row
        j = (i % per_row) * 16
        zbuf[r, pl.ds(j, 16)] = zero16
        return carry

    lax.fori_loop(0, BATCH * per_row, body, 0)


def _make_sc_spmm(nbt, per_sc, nb):

    @functools.partial(
        pl.kernel,
        out_type=jax.ShapeDtypeStruct((nbt * NPAD, W), jnp.float32),
        mesh=_mesh,
        compiler_params=pltpu.CompilerParams(use_tc_tiling_on_sc=False),
        scratch_types=[
            pltpu.VMEM((nb, BATCH), jnp.int32),
            pltpu.VMEM((nb, BATCH), jnp.int32),
            pltpu.VMEM((BATCH, W), jnp.float32),
            pltpu.VMEM((BATCH, W), jnp.float32),
            pltpu.VMEM_SHARED((NPAD, W), jnp.float32),
        ],
    )
    def k(tab_hbm, src_hbm, dst_hbm, out_hbm, src_v, dst_v, rows, zbuf, acc):
        cid = lax.axis_index("c")
        sid = lax.axis_index("s")
        pltpu.sync_copy(dst_hbm.at[sid], dst_v)
        _zero_zbuf(zbuf)

        def do_block(blk):
            for kk in range(ROWS_PER_TILE // BATCH):
                pltpu.sync_copy(
                    zbuf, acc.at[pl.ds(sid * ROWS_PER_TILE + kk * BATCH, BATCH)])
            pltpu.sync_copy(src_hbm.at[blk * 16 + sid], src_v)
            plsc.subcore_barrier()

            def body(b, carry):
                pltpu.sync_copy(tab_hbm.at[src_v.at[b]], rows)
                pltpu.sync_copy(rows, acc.at[dst_v.at[b]], add=True)
                return carry

            lax.fori_loop(0, nb, body, 0)
            plsc.subcore_barrier()
            pltpu.sync_copy(
                acc.at[pl.ds(sid * ROWS_PER_TILE, ROWS_PER_TILE)],
                out_hbm.at[pl.ds(blk * NPAD + sid * ROWS_PER_TILE, ROWS_PER_TILE)],
            )
            plsc.subcore_barrier()

        for j in range(per_sc):
            do_block(cid * per_sc + j)

    return k


def _tc_pool_embed(p_ref, wp_ref, we_ref, s_ref, cx_ref):
    i = pl.program_id(0)
    ax = jnp.concatenate([p_ref[0], p_ref[1]], axis=1)
    h = lax.dot_general(ax, wp_ref[...], (((1,), (0,)), ((), ())),
                        preferred_element_type=jnp.float32)
    h = jnp.maximum(h, 0.0)
    col = lax.broadcasted_iota(jnp.int32, (ROW_TILE, CPAD), 1)
    hm = jnp.where(col < C, h, -1e30)
    m = jnp.max(hm, axis=1, keepdims=True)
    e = jnp.exp(hm - m)
    s = e / jnp.sum(e, axis=1, keepdims=True)
    z = jnp.maximum(
        lax.dot_general(ax, we_ref[...], (((1,), (0,)), ((), ())),
                        preferred_element_type=jnp.float32), 0.0)
    for b in range(SBLK):
        s_ref[b] = s[:, b * W:(b + 1) * W]
    contrib = lax.dot_general(s, z, (((0,), (0,)), ((), ())),
                              preferred_element_type=jnp.float32)

    @pl.when(i == 0)
    def _():
        cx_ref[...] = contrib

    @pl.when(i > 0)
    def _():
        cx_ref[...] += contrib


def _tc_coarse_a(s_ref, as_ref, ca_ref):
    i = pl.program_id(0)
    s = jnp.concatenate([s_ref[b] for b in range(SBLK)], axis=1)
    a = jnp.concatenate([as_ref[b] for b in range(SBLK)], axis=1)
    contrib = lax.dot_general(s, a, (((0,), (0,)), ((), ())),
                              preferred_element_type=jnp.float32)

    @pl.when(i == 0)
    def _():
        ca_ref[...] = contrib

    @pl.when(i > 0)
    def _():
        ca_ref[...] += contrib


def kernel(x, edge_index, W_pool, W_embed):
    E = edge_index.shape[1]
    epad = -E % (16 * BATCH)
    src = jnp.concatenate([edge_index[0], jnp.zeros((epad,), jnp.int32)])
    dst = jnp.concatenate([edge_index[1], jnp.full((epad,), N, jnp.int32)])
    nb = (E + epad) // (16 * BATCH)

    dst16 = dst.reshape(16, nb, BATCH)
    src_x = (src[None, :] + (jnp.arange(XBLK, dtype=jnp.int32) * N)[:, None]
             ).reshape(XBLK * 16, nb, BATCH)
    src_s = (src[None, :] + (jnp.arange(SBLK, dtype=jnp.int32) * NPAD)[:, None]
             ).reshape(SBLK * 16, nb, BATCH)

    xb = jnp.stack([x[:, :W], x[:, W:]]).reshape(XBLK * N, W)
    axb = _make_sc_spmm(XBLK, 1, nb)(xb, src_x, dst16).reshape(XBLK, NPAD, W)

    wp_pad = jnp.zeros((D, CPAD), jnp.float32).at[:, :C].set(W_pool)

    grid = N // ROW_TILE
    s_blk, cx = pl.pallas_call(
        _tc_pool_embed,
        grid=(grid,),
        in_specs=[
            pl.BlockSpec((XBLK, ROW_TILE, W), lambda i: (0, i, 0)),
            pl.BlockSpec((D, CPAD), lambda i: (0, 0)),
            pl.BlockSpec((D, D), lambda i: (0, 0)),
        ],
        out_specs=[
            pl.BlockSpec((SBLK, ROW_TILE, W), lambda i: (0, i, 0)),
            pl.BlockSpec((CPAD, D), lambda i: (0, 0)),
        ],
        out_shape=[
            jax.ShapeDtypeStruct((SBLK, NPAD, W), jnp.float32),
            jax.ShapeDtypeStruct((CPAD, D), jnp.float32),
        ],
    )(axb, wp_pad, W_embed)

    as_flat = _make_sc_spmm(SBLK, SBLK // 2, nb)(
        s_blk.reshape(SBLK * NPAD, W), src_s, dst16)

    ca = pl.pallas_call(
        _tc_coarse_a,
        grid=(grid,),
        in_specs=[
            pl.BlockSpec((SBLK, ROW_TILE, W), lambda i: (0, i, 0)),
            pl.BlockSpec((SBLK, ROW_TILE, W), lambda i: (0, i, 0)),
        ],
        out_specs=pl.BlockSpec((CPAD, CPAD), lambda i: (0, 0)),
        out_shape=jax.ShapeDtypeStruct((CPAD, CPAD), jnp.float32),
    )(s_blk, as_flat.reshape(SBLK, NPAD, W))

    return (ca[:C, :C], cx[:C, :])

# --- scband reference (transcript-rebuilt; emitter-appended) ---
"""Pipeline reference for scband-diff-pool-35502199669559 (READ-ONLY COPY).

The authoritative reference and input builder live on the scoring server;
editing this copy changes nothing except your own understanding.
"""

import jax, jax.numpy as jnp
import numpy as np

N = 10000
E = 160000
D = 128
C = 500  # number of clusters (DiffPool 'A' init arg interpreted as pooled size)


def _spmm(edge_index, h, n_nodes):
    # A @ h where A[dst, src] = 1 for each edge (src -> dst): gather + scatter-add
    src = edge_index[0]
    dst = edge_index[1]
    return jax.ops.segment_sum(h[src], dst, num_segments=n_nodes)


def setup_inputs(seed: int = 0) -> dict:
    key = jax.random.key(seed)
    k1, k2, k3, k4 = jax.random.split(key, 4)
    x = jax.random.normal(k1, (N, D), dtype=jnp.float32)
    edge_index = jax.random.randint(k2, (2, E), 0, N, dtype=jnp.int32)
    # GlorotUniform-style init for the two GCN weight matrices
    lim_p = np.sqrt(6.0 / (D + C)).astype(np.float32)
    lim_e = np.sqrt(6.0 / (D + D)).astype(np.float32)
    W_pool = jax.random.uniform(k3, (D, C), dtype=jnp.float32, minval=-lim_p, maxval=lim_p)
    W_embed = jax.random.uniform(k4, (D, D), dtype=jnp.float32, minval=-lim_e, maxval=lim_e)
    return {"x": x, "edge_index": edge_index, "W_pool": W_pool, "W_embed": W_embed}


def reference(x, edge_index, W_pool, W_embed):
    # pool GCN: relu(A @ (X W_pool)) -> assignment logits
    h_pool = jnp.maximum(_spmm(edge_index, x @ W_pool, N), 0.0)
    # softmax over cluster axis (axis=1 of [N, C], matching per-node softmax in call)
    S = jax.nn.softmax(h_pool, axis=-1)
    # embed GCN: relu(A @ (X W_embed))
    Z = jnp.maximum(_spmm(edge_index, x @ W_embed, N), 0.0)
    # coarse features: S^T Z  -> [C, D]
    coarse_X = S.T @ Z
    # coarse adjacency: S^T (A S) -> [C, C]
    AS = _spmm(edge_index, S, N)
    coarse_A = S.T @ AS
    return (coarse_A, coarse_X)

if __name__ == "__main__":
    import jax
    _d = setup_inputs()
    print(jax.jit(kernel)(*tuple(_d.values())))

</pallas_src>

<mosaic_0001>
#map = affine_map<(d0, d1) -> (0, 0)>
#map1 = affine_map<(d0, d1) -> (0, 0, 0)>
module attributes {stable_mosaic.version = 14 : i64} {
  func.func @k(%arg0: i32, %arg1: i32, %arg2: memref<20000x64xf32, #tpu.memory_space<hbm>>, %arg3: memref<32x79x128xi32, #tpu.memory_space<hbm>>, %arg4: memref<16x79x128xi32, #tpu.memory_space<hbm>>, %arg5: memref<20480x64xf32, #tpu.memory_space<hbm>>, %arg6: memref<79x128xi32, #tpu.memory_space<vmem>>, %arg7: memref<79x128xi32, #tpu.memory_space<vmem>>, %arg8: memref<128x64xf32, #tpu.memory_space<vmem>>, %arg9: memref<128x64xf32, #tpu.memory_space<vmem>>, %arg10: memref<10240x64xf32, #tpu.memory_space<vmem_shared>>) attributes {dimension_semantics = [#tpu.dimension_semantics<core_parallel>, #tpu.dimension_semantics<subcore_parallel>], iteration_bounds = array<i64: 2, 16>, scalar_prefetch = 0 : i64, scratch_operands = 5 : i64, tpu.core_type = #tpu.core_type<sc_vector_subcore>, window_params = [{transform_indices = #map}, {transform_indices = #map1}, {transform_indices = #map1}, {transform_indices = #map}]} {
    "tpu.region"() ({
      %run_scoped3A = tpu.sem_alloc : memref<!tpu.dma_semaphore, #tpu.memory_space<semaphore_mem>>
      %dma_start3A = arith.constant 0 : i32
      %dma_start3A_46 = arith.constant 0 : i32
      %dma_start3A_47 = tpu.memref_slice %arg4[%arg1, %dma_start3A, %dma_start3A_46] : memref<16x79x128xi32, #tpu.memory_space<hbm>> -> memref<1x79x128xi32, #tpu.memory_space<hbm>>
      %dma_start3A_48 = tpu.memref_squeeze %dma_start3A_47 : memref<1x79x128xi32, #tpu.memory_space<hbm>> -> memref<79x128xi32, #tpu.memory_space<hbm>>
      %dma_start3A_49 = arith.constant 0 : i32
      %dma_start3A_50 = arith.constant 0 : i32
      %dma_start3A_51 = tpu.memref_slice %arg4[%arg1, %dma_start3A_49, %dma_start3A_50] : memref<16x79x128xi32, #tpu.memory_space<hbm>> -> memref<1x79x128xi32, #tpu.memory_space<hbm>>
      %dma_start3A_52 = tpu.memref_squeeze %dma_start3A_51 : memref<1x79x128xi32, #tpu.memory_space<hbm>> -> memref<79x128xi32, #tpu.memory_space<hbm>>
      tpu.enqueue_dma source(%dma_start3A_52 : memref<79x128xi32, #tpu.memory_space<hbm>>) target(%arg7 : memref<79x128xi32, #tpu.memory_space<vmem>>) target_semaphore(%run_scoped3A : memref<!tpu.dma_semaphore, #tpu.memory_space<semaphore_mem>>)
      %dma_wait3A = arith.constant 0 : i32
      %dma_wait3A_53 = arith.constant 0 : i32
      %dma_wait3A_54 = tpu.memref_slice %arg4[%arg1, %dma_wait3A, %dma_wait3A_53] : memref<16x79x128xi32, #tpu.memory_space<hbm>> -> memref<1x79x128xi32, #tpu.memory_space<hbm>>
      %dma_wait3A_55 = tpu.memref_squeeze %dma_wait3A_54 : memref<1x79x128xi32, #tpu.memory_space<hbm>> -> memref<79x128xi32, #tpu.memory_space<hbm>>
      %dma_wait3A_56 = arith.constant 0 : i32
      %dma_wait3A_57 = arith.constant 0 : i32
      %dma_wait3A_58 = tpu.memref_slice %arg4[%arg1, %dma_wait3A_56, %dma_wait3A_57] : memref<16x79x128xi32, #tpu.memory_space<hbm>> -> memref<1x79x128xi32, #tpu.memory_space<hbm>>
      %dma_wait3A_59 = tpu.memref_squeeze %dma_wait3A_58 : memref<1x79x128xi32, #tpu.memory_space<hbm>> -> memref<79x128xi32, #tpu.memory_space<hbm>>
      tpu.wait_dma2 semaphore(%run_scoped3A : memref<!tpu.dma_semaphore, #tpu.memory_space<semaphore_mem>>) src(%dma_wait3A_59 : memref<79x128xi32, #tpu.memory_space<hbm>>) dst(%arg7 : memref<79x128xi32, #tpu.memory_space<vmem>>)
      tpu.yield
    }) : () -> ()
    %broadcast_in_dim3A = arith.constant 0.000000e+00 : f32
    %broadcast_in_dim3A_0 = vector.broadcast %broadcast_in_dim3A : f32 to vector<16xf32>
    %scan3A = arith.constant 0 : i32
    %scan3A_1 = arith.constant 0 : i32
    %scan3A_2 = arith.constant 512 : i32
    %scan3A_3 = arith.addi %scan3A_1, %scan3A_2 : i32
    %scan3A_4 = arith.constant 1 : i32
    scf.for %scan3A_46 = %scan3A_1 to %scan3A_3 step %scan3A_4  : i32 {
      %jit3A = arith.constant 4 : i32
      %div3A = arith.divsi %scan3A_46, %jit3A : i32
      %sign3A = arith.constant 0 : i32
      %sign3A_47 = arith.cmpi sgt, %scan3A_46, %sign3A : i32
      %sign3A_48 = arith.extui %sign3A_47 : i1 to i32
      %sign3A_49 = arith.constant 0 : i32
      %sign3A_50 = arith.cmpi slt, %scan3A_46, %sign3A_49 : i32
      %sign3A_51 = arith.extui %sign3A_50 : i1 to i32
      %sign3A_52 = arith.subi %sign3A_48, %sign3A_51 : i32
      %sign3A_53 = arith.constant 0 : i32
      %sign3A_54 = arith.cmpi sgt, %jit3A, %sign3A_53 : i32
      %sign3A_55 = arith.extui %sign3A_54 : i1 to i32
      %sign3A_56 = arith.constant 0 : i32
      %sign3A_57 = arith.cmpi slt, %jit3A, %sign3A_56 : i32
      %sign3A_58 = arith.extui %sign3A_57 : i1 to i32
      %sign3A_59 = arith.subi %sign3A_55, %sign3A_58 : i32
      %ne3A = arith.cmpi ne, %sign3A_52, %sign3A_59 : i32
      %rem3A = arith.remsi %scan3A_46, %jit3A : i32
      %ne3A_60 = arith.constant 0 : i32
      %ne3A_61 = arith.cmpi ne, %rem3A, %ne3A_60 : i32
      %and3A = arith.andi %ne3A, %ne3A_61 : i1
      %sub3A = arith.constant 1 : i32
      %sub3A_62 = arith.subi %div3A, %sub3A : i32
      %select_n3A = arith.select %and3A, %sub3A_62, %div3A : i32
      %jit3A_63 = arith.constant 4 : i32
      %eq3A = arith.constant 0 : i32
      %eq3A_64 = arith.cmpi eq, %jit3A_63, %eq3A : i32
      %jit3A_65 = arith.constant 1 : i32
      %select_n3A_66 = arith.select %eq3A_64, %jit3A_65, %jit3A_63 : i32
      %rem3A_67 = arith.remsi %scan3A_46, %select_n3A_66 : i32
      %ne3A_68 = arith.constant 0 : i32
      %ne3A_69 = arith.cmpi ne, %rem3A_67, %ne3A_68 : i32
      %lt3A = arith.constant 0 : i32
      %lt3A_70 = arith.cmpi slt, %rem3A_67, %lt3A : i32
      %lt3A_71 = arith.constant 0 : i32
      %lt3A_72 = arith.cmpi slt, %select_n3A_66, %lt3A_71 : i32
      %ne3A_73 = arith.xori %lt3A_70, %lt3A_72 : i1
      %and3A_74 = arith.andi %ne3A_73, %ne3A_69 : i1
      %add3A_75 = arith.addi %rem3A_67, %select_n3A_66 : i32
      %select_n3A_76 = arith.select %and3A_74, %add3A_75, %rem3A_67 : i32
      %mul3A_77 = arith.constant 16 : i32
      %mul3A_78 = arith.muli %select_n3A_76, %mul3A_77 : i32
      %swap3A = arith.index_cast %select_n3A : i32 to index
      %swap3A_79 = arith.index_cast %mul3A_78 : i32 to index
      %swap3A_80 = tpu.vector_load %arg9[%swap3A, %swap3A_79] {strides = array<i32>} : memref<128x64xf32, #tpu.memory_space<vmem>>, vector<1x16xf32>,
      %swap3A_81 = vector.shape_cast %swap3A_80 : vector<1x16xf32> to vector<16xf32>
      %swap3A_82 = vector.shape_cast %broadcast_in_dim3A_0 : vector<16xf32> to vector<1x16xf32>
      tpu.vector_store %arg9[%swap3A, %swap3A_79], %swap3A_82 {strides = array<i32>} : memref<128x64xf32, #tpu.memory_space<vmem>>, vector<1x16xf32>,
    }
    %scan3A_5 = arith.constant 512 : i32
    %mul3A = arith.constant 1 : i32
    %mul3A_6 = arith.muli %arg0, %mul3A : i32
    %add3A = arith.constant 0 : i32
    %add3A_7 = arith.addi %mul3A_6, %add3A : i32
    %mul3A_8 = arith.constant 640 : i32
    %mul3A_9 = arith.muli %arg1, %mul3A_8 : i32
    %add3A_10 = arith.constant 0 : i32
    %add3A_11 = arith.addi %mul3A_9, %add3A_10 : i32
    "tpu.region"() ({
      %run_scoped3A = tpu.sem_alloc : memref<!tpu.dma_semaphore, #tpu.memory_space<semaphore_mem>>
      %dma_start3A = arith.constant 0 : i32
      %dma_start3A_46 = tpu.memref_slice %arg10[%add3A_11, %dma_start3A] : memref<10240x64xf32, #tpu.memory_space<vmem_shared>> -> memref<128x64xf32, #tpu.memory_space<vmem_shared>>
      %dma_start3A_47 = arith.constant 0 : i32
      %dma_start3A_48 = tpu.memref_slice %arg10[%add3A_11, %dma_start3A_47] : memref<10240x64xf32, #tpu.memory_space<vmem_shared>> -> memref<128x64xf32, #tpu.memory_space<vmem_shared>>
      tpu.enqueue_dma source(%arg9 : memref<128x64xf32, #tpu.memory_space<vmem>>) target(%dma_start3A_48 : memref<128x64xf32, #tpu.memory_space<vmem_shared>>) target_semaphore(%run_scoped3A : memref<!tpu.dma_semaphore, #tpu.memory_space<semaphore_mem>>)
      %dma_wait3A = arith.constant 0 : i32
      %dma_wait3A_49 = tpu.memref_slice %arg10[%add3A_11, %dma_wait3A] : memref<10240x64xf32, #tpu.memory_space<vmem_shared>> -> memref<128x64xf32, #tpu.memory_space<vmem_shared>>
      %dma_wait3A_50 = arith.constant 0 : i32
      %dma_wait3A_51 = tpu.memref_slice %arg10[%add3A_11, %dma_wait3A_50] : memref<10240x64xf32, #tpu.memory_space<vmem_shared>> -> memref<128x64xf32, #tpu.memory_space<vmem_shared>>
      tpu.wait_dma2 semaphore(%run_scoped3A : memref<!tpu.dma_semaphore, #tpu.memory_space<semaphore_mem>>) src(%arg9 : memref<128x64xf32, #tpu.memory_space<vmem>>) dst(%dma_wait3A_51 : memref<128x64xf32, #tpu.memory_space<vmem_shared>>)
      tpu.yield
    }) : () -> ()
    %mul3A_12 = arith.constant 640 : i32
    %mul3A_13 = arith.muli %arg1, %mul3A_12 : i32
    %add3A_14 = arith.constant 128 : i32
    %add3A_15 = arith.addi %mul3A_13, %add3A_14 : i32
    "tpu.region"() ({
      %run_scoped3A = tpu.sem_alloc : memref<!tpu.dma_semaphore, #tpu.memory_space<semaphore_mem>>
      %dma_start3A = arith.constant 0 : i32
      %dma_start3A_46 = tpu.memref_slice %arg10[%add3A_15, %dma_start3A] : memref<10240x64xf32, #tpu.memory_space<vmem_shared>> -> memref<128x64xf32, #tpu.memory_space<vmem_shared>>
      %dma_start3A_47 = arith.constant 0 : i32
      %dma_start3A_48 = tpu.memref_slice %arg10[%add3A_15, %dma_start3A_47] : memref<10240x64xf32, #tpu.memory_space<vmem_shared>> -> memref<128x64xf32, #tpu.memory_space<vmem_shared>>
      tpu.enqueue_dma source(%arg9 : memref<128x64xf32, #tpu.memory_space<vmem>>) target(%dma_start3A_48 : memref<128x64xf32, #tpu.memory_space<vmem_shared>>) target_semaphore(%run_scoped3A : memref<!tpu.dma_semaphore, #tpu.memory_space<semaphore_mem>>)
      %dma_wait3A = arith.constant 0 : i32
      %dma_wait3A_49 = tpu.memref_slice %arg10[%add3A_15, %dma_wait3A] : memref<10240x64xf32, #tpu.memory_space<vmem_shared>> -> memref<128x64xf32, #tpu.memory_space<vmem_shared>>
      %dma_wait3A_50 = arith.constant 0 : i32
      %dma_wait3A_51 = tpu.memref_slice %arg10[%add3A_15, %dma_wait3A_50] : memref<10240x64xf32, #tpu.memory_space<vmem_shared>> -> memref<128x64xf32, #tpu.memory_space<vmem_shared>>
      tpu.wait_dma2 semaphore(%run_scoped3A : memref<!tpu.dma_semaphore, #tpu.memory_space<semaphore_mem>>) src(%arg9 : memref<128x64xf32, #tpu.memory_space<vmem>>) dst(%dma_wait3A_51 : memref<128x64xf32, #tpu.memory_space<vmem_shared>>)
      tpu.yield
    }) : () -> ()
    %mul3A_16 = arith.constant 640 : i32
    %mul3A_17 = arith.muli %arg1, %mul3A_16 : i32
    %add3A_18 = arith.constant 256 : i32
    %add3A_19 = arith.addi %mul3A_17, %add3A_18 : i32
    "tpu.region"() ({
      %run_scoped3A = tpu.sem_alloc : memref<!tpu.dma_semaphore, #tpu.memory_space<semaphore_mem>>
      %dma_start3A = arith.constant 0 : i32
      %dma_start3A_46 = tpu.memref_slice %arg10[%add3A_19, %dma_start3A] : memref<10240x64xf32, #tpu.memory_space<vmem_shared>> -> memref<128x64xf32, #tpu.memory_space<vmem_shared>>
      %dma_start3A_47 = arith.constant 0 : i32
      %dma_start3A_48 = tpu.memref_slice %arg10[%add3A_19, %dma_start3A_47] : memref<10240x64xf32, #tpu.memory_space<vmem_shared>> -> memref<128x64xf32, #tpu.memory_space<vmem_shared>>
      tpu.enqueue_dma source(%arg9 : memref<128x64xf32, #tpu.memory_space<vmem>>) target(%dma_start3A_48 : memref<128x64xf32, #tpu.memory_space<vmem_shared>>) target_semaphore(%run_scoped3A : memref<!tpu.dma_semaphore, #tpu.memory_space<semaphore_mem>>)
      %dma_wait3A = arith.constant 0 : i32
      %dma_wait3A_49 = tpu.memref_slice %arg10[%add3A_19, %dma_wait3A] : memref<10240x64xf32, #tpu.memory_space<vmem_shared>> -> memref<128x64xf32, #tpu.memory_space<vmem_shared>>
      %dma_wait3A_50 = arith.constant 0 : i32
      %dma_wait3A_51 = tpu.memref_slice %arg10[%add3A_19, %dma_wait3A_50] : memref<10240x64xf32, #tpu.memory_space<vmem_shared>> -> memref<128x64xf32, #tpu.memory_space<vmem_shared>>
      tpu.wait_dma2 semaphore(%run_scoped3A : memref<!tpu.dma_semaphore, #tpu.memory_space<semaphore_mem>>) src(%arg9 : memref<128x64xf32, #tpu.memory_space<vmem>>) dst(%dma_wait3A_51 : memref<128x64xf32, #tpu.memory_space<vmem_shared>>)
      tpu.yield
    }) : () -> ()
    %mul3A_20 = arith.constant 640 : i32
    %mul3A_21 = arith.muli %arg1, %mul3A_20 : i32
    %add3A_22 = arith.constant 384 : i32
    %add3A_23 = arith.addi %mul3A_21, %add3A_22 : i32
    "tpu.region"() ({
      %run_scoped3A = tpu.sem_alloc : memref<!tpu.dma_semaphore, #tpu.memory_space<semaphore_mem>>
      %dma_start3A = arith.constant 0 : i32
      %dma_start3A_46 = tpu.memref_slice %arg10[%add3A_23, %dma_start3A] : memref<10240x64xf32, #tpu.memory_space<vmem_shared>> -> memref<128x64xf32, #tpu.memory_space<vmem_shared>>
      %dma_start3A_47 = arith.constant 0 : i32
      %dma_start3A_48 = tpu.memref_slice %arg10[%add3A_23, %dma_start3A_47] : memref<10240x64xf32, #tpu.memory_space<vmem_shared>> -> memref<128x64xf32, #tpu.memory_space<vmem_shared>>
      tpu.enqueue_dma source(%arg9 : memref<128x64xf32, #tpu.memory_space<vmem>>) target(%dma_start3A_48 : memref<128x64xf32, #tpu.memory_space<vmem_shared>>) target_semaphore(%run_scoped3A : memref<!tpu.dma_semaphore, #tpu.memory_space<semaphore_mem>>)
      %dma_wait3A = arith.constant 0 : i32
      %dma_wait3A_49 = tpu.memref_slice %arg10[%add3A_23, %dma_wait3A] : memref<10240x64xf32, #tpu.memory_space<vmem_shared>> -> memref<128x64xf32, #tpu.memory_space<vmem_shared>>
      %dma_wait3A_50 = arith.constant 0 : i32
      %dma_wait3A_51 = tpu.memref_slice %arg10[%add3A_23, %dma_wait3A_50] : memref<10240x64xf32, #tpu.memory_space<vmem_shared>> -> memref<128x64xf32, #tpu.memory_space<vmem_shared>>
      tpu.wait_dma2 semaphore(%run_scoped3A : memref<!tpu.dma_semaphore, #tpu.memory_space<semaphore_mem>>) src(%arg9 : memref<128x64xf32, #tpu.memory_space<vmem>>) dst(%dma_wait3A_51 : memref<128x64xf32, #tpu.memory_space<vmem_shared>>)
      tpu.yield
    }) : () -> ()
    %mul3A_24 = arith.constant 640 : i32
    %mul3A_25 = arith.muli %arg1, %mul3A_24 : i32
    %add3A_26 = arith.constant 512 : i32
    %add3A_27 = arith.addi %mul3A_25, %add3A_26 : i32
    "tpu.region"() ({
      %run_scoped3A = tpu.sem_alloc : memref<!tpu.dma_semaphore, #tpu.memory_space<semaphore_mem>>
      %dma_start3A = arith.constant 0 : i32
      %dma_start3A_46 = tpu.memref_slice %arg10[%add3A_27, %dma_start3A] : memref<10240x64xf32, #tpu.memory_space<vmem_shared>> -> memref<128x64xf32, #tpu.memory_space<vmem_shared>>
      %dma_start3A_47 = arith.constant 0 : i32
      %dma_start3A_48 = tpu.memref_slice %arg10[%add3A_27, %dma_start3A_47] : memref<10240x64xf32, #tpu.memory_space<vmem_shared>> -> memref<128x64xf32, #tpu.memory_space<vmem_shared>>
      tpu.enqueue_dma source(%arg9 : memref<128x64xf32, #tpu.memory_space<vmem>>) target(%dma_start3A_48 : memref<128x64xf32, #tpu.memory_space<vmem_shared>>) target_semaphore(%run_scoped3A : memref<!tpu.dma_semaphore, #tpu.memory_space<semaphore_mem>>)
      %dma_wait3A = arith.constant 0 : i32
      %dma_wait3A_49 = tpu.memref_slice %arg10[%add3A_27, %dma_wait3A] : memref<10240x64xf32, #tpu.memory_space<vmem_shared>> -> memref<128x64xf32, #tpu.memory_space<vmem_shared>>
      %dma_wait3A_50 = arith.constant 0 : i32
      %dma_wait3A_51 = tpu.memref_slice %arg10[%add3A_27, %dma_wait3A_50] : memref<10240x64xf32, #tpu.memory_space<vmem_shared>> -> memref<128x64xf32, #tpu.memory_space<vmem_shared>>
      tpu.wait_dma2 semaphore(%run_scoped3A : memref<!tpu.dma_semaphore, #tpu.memory_space<semaphore_mem>>) src(%arg9 : memref<128x64xf32, #tpu.memory_space<vmem>>) dst(%dma_wait3A_51 : memref<128x64xf32, #tpu.memory_space<vmem_shared>>)
      tpu.yield
    }) : () -> ()
    %mul3A_28 = arith.constant 16 : i32
    %mul3A_29 = arith.muli %add3A_7, %mul3A_28 : i32
    %add3A_30 = arith.addi %mul3A_29, %arg1 : i32
    "tpu.region"() ({
      %run_scoped3A = tpu.sem_alloc : memref<!tpu.dma_semaphore, #tpu.memory_space<semaphore_mem>>
      %dma_start3A = arith.constant 0 : i32
      %dma_start3A_46 = arith.constant 0 : i32
      %dma_start3A_47 = tpu.memref_slice %arg3[%add3A_30, %dma_start3A, %dma_start3A_46] : memref<32x79x128xi32, #tpu.memory_space<hbm>> -> memref<1x79x128xi32, #tpu.memory_space<hbm>>
      %dma_start3A_48 = tpu.memref_squeeze %dma_start3A_47 : memref<1x79x128xi32, #tpu.memory_space<hbm>> -> memref<79x128xi32, #tpu.memory_space<hbm>>
      %dma_start3A_49 = arith.constant 0 : i32
      %dma_start3A_50 = arith.constant 0 : i32
      %dma_start3A_51 = tpu.memref_slice %arg3[%add3A_30, %dma_start3A_49, %dma_start3A_50] : memref<32x79x128xi32, #tpu.memory_space<hbm>> -> memref<1x79x128xi32, #tpu.memory_space<hbm>>
      %dma_start3A_52 = tpu.memref_squeeze %dma_start3A_51 : memref<1x79x128xi32, #tpu.memory_space<hbm>> -> memref<79x128xi32, #tpu.memory_space<hbm>>
      tpu.enqueue_dma source(%dma_start3A_52 : memref<79x128xi32, #tpu.memory_space<hbm>>) target(%arg6 : memref<79x128xi32, #tpu.memory_space<vmem>>) target_semaphore(%run_scoped3A : memref<!tpu.dma_semaphore, #tpu.memory_space<semaphore_mem>>)
      %dma_wait3A = arith.constant 0 : i32
      %dma_wait3A_53 = arith.constant 0 : i32
      %dma_wait3A_54 = tpu.memref_slice %arg3[%add3A_30, %dma_wait3A, %dma_wait3A_53] : memref<32x79x128xi32, #tpu.memory_space<hbm>> -> memref<1x79x128xi32, #tpu.memory_space<hbm>>
      %dma_wait3A_55 = tpu.memref_squeeze %dma_wait3A_54 : memref<1x79x128xi32, #tpu.memory_space<hbm>> -> memref<79x128xi32, #tpu.memory_space<hbm>>
      %dma_wait3A_56 = arith.constant 0 : i32
      %dma_wait3A_57 = arith.constant 0 : i32
      %dma_wait3A_58 = tpu.memref_slice %arg3[%add3A_30, %dma_wait3A_56, %dma_wait3A_57] : memref<32x79x128xi32, #tpu.memory_space<hbm>> -> memref<1x79x128xi32, #tpu.memory_space<hbm>>
      %dma_wait3A_59 = tpu.memref_squeeze %dma_wait3A_58 : memref<1x79x128xi32, #tpu.memory_space<hbm>> -> memref<79x128xi32, #tpu.memory_space<hbm>>
      tpu.wait_dma2 semaphore(%run_scoped3A : memref<!tpu.dma_semaphore, #tpu.memory_space<semaphore_mem>>) src(%dma_wait3A_59 : memref<79x128xi32, #tpu.memory_space<hbm>>) dst(%arg6 : memref<79x128xi32, #tpu.memory_space<vmem>>)
      tpu.yield
    }) : () -> ()
    %barrier3A = arith.constant 0 : index
    tpu.barrier barrier_id(%barrier3A)
    %scan3A_31 = arith.constant 0 : i32
    %scan3A_32 = arith.constant 0 : i32
    %scan3A_33 = arith.constant 79 : i32
    %scan3A_34 = arith.addi %scan3A_32, %scan3A_33 : i32
    %scan3A_35 = arith.constant 1 : i32
    scf.for %scan3A_46 = %scan3A_32 to %scan3A_34 step %scan3A_35  : i32 {
      "tpu.region"() ({
        %run_scoped3A = tpu.sem_alloc : memref<!tpu.dma_semaphore, #tpu.memory_space<semaphore_mem>>
        %dma_start3A = arith.constant 0 : i32
        %dma_start3A_47 = tpu.memref_slice %arg6[%scan3A_46, %dma_start3A] : memref<79x128xi32, #tpu.memory_space<vmem>> -> memref<1x128xi32, #tpu.memory_space<vmem>>
        %dma_start3A_48 = tpu.memref_squeeze %dma_start3A_47 : memref<1x128xi32, #tpu.memory_space<vmem>> -> memref<128xi32, #tpu.memory_space<vmem>>
        %dma_start3A_49 = arith.constant 0 : i32
        %dma_start3A_50 = arith.constant 0 : i32
        %dma_start3A_51 = tpu.memref_slice %arg2[%dma_start3A_49, %dma_start3A_50] : memref<20000x64xf32, #tpu.memory_space<hbm>> -> memref<20000x64xf32, #tpu.memory_space<hbm>>
        tpu.enqueue_indirect_dma source(%dma_start3A_51 : memref<20000x64xf32, #tpu.memory_space<hbm>>) target(%arg8 : memref<128x64xf32, #tpu.memory_space<vmem>>) offsets(%dma_start3A_48 : memref<128xi32, #tpu.memory_space<vmem>>) semaphore(%run_scoped3A : memref<!tpu.dma_semaphore, #tpu.memory_space<semaphore_mem>>)
        %dma_wait3A = arith.constant 0 : i32
        %dma_wait3A_52 = tpu.memref_slice %arg6[%scan3A_46, %dma_wait3A] : memref<79x128xi32, #tpu.memory_space<vmem>> -> memref<1x128xi32, #tpu.memory_space<vmem>>
        %dma_wait3A_53 = tpu.memref_squeeze %dma_wait3A_52 : memref<1x128xi32, #tpu.memory_space<vmem>> -> memref<128xi32, #tpu.memory_space<vmem>>
        %dma_wait3A_54 = arith.constant 0 : i32
        %dma_wait3A_55 = arith.constant 0 : i32
        %dma_wait3A_56 = tpu.memref_slice %arg2[%dma_wait3A_54, %dma_wait3A_55] : memref<20000x64xf32, #tpu.memory_space<hbm>> -> memref<20000x64xf32, #tpu.memory_space<hbm>>
        tpu.wait_indirect_dma semaphore(%run_scoped3A : memref<!tpu.dma_semaphore, #tpu.memory_space<semaphore_mem>>) src(%dma_wait3A_56 : memref<20000x64xf32, #tpu.memory_space<hbm>>) dst(%arg8 : memref<128x64xf32, #tpu.memory_space<vmem>>)
        tpu.yield
      }) : () -> ()
      "tpu.region"() ({
        %run_scoped3A = tpu.sem_alloc : memref<!tpu.dma_semaphore, #tpu.memory_space<semaphore_mem>>
        %dma_start3A = arith.constant 0 : i32
        %dma_start3A_47 = tpu.memref_slice %arg7[%scan3A_46, %dma_start3A] : memref<79x128xi32, #tpu.memory_space<vmem>> -> memref<1x128xi32, #tpu.memory_space<vmem>>
        %dma_start3A_48 = tpu.memref_squeeze %dma_start3A_47 : memref<1x128xi32, #tpu.memory_space<vmem>> -> memref<128xi32, #tpu.memory_space<vmem>>
        %dma_start3A_49 = arith.constant 0 : i32
        %dma_start3A_50 = arith.constant 0 : i32
        %dma_start3A_51 = tpu.memref_slice %arg10[%dma_start3A_49, %dma_start3A_50] : memref<10240x64xf32, #tpu.memory_space<vmem_shared>> -> memref<10240x64xf32, #tpu.memory_space<vmem_shared>>
        tpu.enqueue_indirect_dma source(%arg8 : memref<128x64xf32, #tpu.memory_space<vmem>>) target(%dma_start3A_51 : memref<10240x64xf32, #tpu.memory_space<vmem_shared>>) offsets(%dma_start3A_48 : memref<128xi32, #tpu.memory_space<vmem>>) semaphore(%run_scoped3A : memref<!tpu.dma_semaphore, #tpu.memory_space<semaphore_mem>>) {add = true}
        %dma_wait3A = arith.constant 0 : i32
        %dma_wait3A_52 = tpu.memref_slice %arg7[%scan3A_46, %dma_wait3A] : memref<79x128xi32, #tpu.memory_space<vmem>> -> memref<1x128xi32, #tpu.memory_space<vmem>>
        %dma_wait3A_53 = tpu.memref_squeeze %dma_wait3A_52 : memref<1x128xi32, #tpu.memory_space<vmem>> -> memref<128xi32, #tpu.memory_space<vmem>>
        %dma_wait3A_54 = arith.constant 0 : i32
        %dma_wait3A_55 = arith.constant 0 : i32
        %dma_wait3A_56 = tpu.memref_slice %arg10[%dma_wait3A_54, %dma_wait3A_55] : memref<10240x64xf32, #tpu.memory_space<vmem_shared>> -> memref<10240x64xf32, #tpu.memory_space<vmem_shared>>
        tpu.wait_indirect_dma semaphore(%run_scoped3A : memref<!tpu.dma_semaphore, #tpu.memory_space<semaphore_mem>>) src(%arg8 : memref<128x64xf32, #tpu.memory_space<vmem>>) dst(%dma_wait3A_56 : memref<10240x64xf32, #tpu.memory_space<vmem_shared>>)
        tpu.yield
      }) : () -> ()
    }
    %scan3A_36 = arith.constant 79 : i32
    %barrier3A_37 = arith.constant 0 : index
    tpu.barrier barrier_id(%barrier3A_37)
    %mul3A_38 = arith.constant 640 : i32
    %mul3A_39 = arith.muli %arg1, %mul3A_38 : i32
    %mul3A_40 = arith.constant 10240 : i32
    %mul3A_41 = arith.muli %add3A_7, %mul3A_40 : i32
    %mul3A_42 = arith.constant 640 : i32
    %mul3A_43 = arith.muli %arg1, %mul3A_42 : i32
    %add3A_44 = arith.addi %mul3A_41, %mul3A_43 : i32
    "tpu.region"() ({
      %run_scoped3A = tpu.sem_alloc : memref<!tpu.dma_semaphore, #tpu.memory_space<semaphore_mem>>
      %dma_start3A = arith.constant 0 : i32
      %dma_start3A_46 = tpu.memref_slice %arg5[%add3A_44, %dma_start3A] : memref<20480x64xf32, #tpu.memory_space<hbm>> -> memref<640x64xf32, #tpu.memory_space<hbm>>
      %dma_start3A_47 = arith.constant 0 : i32
      %dma_start3A_48 = tpu.memref_slice %arg10[%mul3A_39, %dma_start3A_47] : memref<10240x64xf32, #tpu.memory_space<vmem_shared>> -> memref<640x64xf32, #tpu.memory_space<vmem_shared>>
      tpu.enqueue_dma source(%dma_start3A_48 : memref<640x64xf32, #tpu.memory_space<vmem_shared>>) target(%dma_start3A_46 : memref<640x64xf32, #tpu.memory_space<hbm>>) target_semaphore(%run_scoped3A : memref<!tpu.dma_semaphore, #tpu.memory_space<semaphore_mem>>)
      %dma_wait3A = arith.constant 0 : i32
      %dma_wait3A_49 = tpu.memref_slice %arg5[%add3A_44, %dma_wait3A] : memref<20480x64xf32, #tpu.memory_space<hbm>> -> memref<640x64xf32, #tpu.memory_space<hbm>>
      %dma_wait3A_50 = arith.constant 0 : i32
      %dma_wait3A_51 = tpu.memref_slice %arg10[%mul3A_39, %dma_wait3A_50] : memref<10240x64xf32, #tpu.memory_space<vmem_shared>> -> memref<640x64xf32, #tpu.memory_space<vmem_shared>>
      tpu.wait_dma2 semaphore(%run_scoped3A : memref<!tpu.dma_semaphore, #tpu.memory_space<semaphore_mem>>) src(%dma_wait3A_51 : memref<640x64xf32, #tpu.memory_space<vmem_shared>>) dst(%dma_wait3A_49 : memref<640x64xf32, #tpu.memory_space<hbm>>)
      tpu.yield
    }) : () -> ()
    %barrier3A_45 = arith.constant 0 : index
    tpu.barrier barrier_id(%barrier3A_45)
    return
  }
}

#map = affine_map<(d0, d1) -> (0, 0)>
#map1 = affine_map<(d0, d1) -> (0, 0, 0)>
module attributes {stable_mosaic.version = 14 : i64} {
  func.func @k(%arg0: i32, %arg1: i32, %arg2: memref<81920x64xf32, #tpu.memory_space<hbm>>, %arg3: memref<128x79x128xi32, #tpu.memory_space<hbm>>, %arg4: memref<16x79x128xi32, #tpu.memory_space<hbm>>, %arg5: memref<81920x64xf32, #tpu.memory_space<hbm>>, %arg6: memref<79x128xi32, #tpu.memory_space<vmem>>, %arg7: memref<79x128xi32, #tpu.memory_space<vmem>>, %arg8: memref<128x64xf32, #tpu.memory_space<vmem>>, %arg9: memref<128x64xf32, #tpu.memory_space<vmem>>, %arg10: memref<10240x64xf32, #tpu.memory_space<vmem_shared>>) attributes {dimension_semantics = [#tpu.dimension_semantics<core_parallel>, #tpu.dimension_semantics<subcore_parallel>], iteration_bounds = array<i64: 2, 16>, scalar_prefetch = 0 : i64, scratch_operands = 5 : i64, tpu.core_type = #tpu.core_type<sc_vector_subcore>, window_params = [{transform_indices = #map}, {transform_indices = #map1}, {transform_indices = #map1}, {transform_indices = #map}]} {
    "tpu.region"() ({
      %run_scoped3A = tpu.sem_alloc : memref<!tpu.dma_semaphore, #tpu.memory_space<semaphore_mem>>
      %dma_start3A = arith.constant 0 : i32
      %dma_start3A_175 = arith.constant 0 : i32
      %dma_start3A_176 = tpu.memref_slice %arg4[%arg1, %dma_start3A, %dma_start3A_175] : memref<16x79x128xi32, #tpu.memory_space<hbm>> -> memref<1x79x128xi32, #tpu.memory_space<hbm>>
      %dma_start3A_177 = tpu.memref_squeeze %dma_start3A_176 : memref<1x79x128xi32, #tpu.memory_space<hbm>> -> memref<79x128xi32, #tpu.memory_space<hbm>>
      %dma_start3A_178 = arith.constant 0 : i32
      %dma_start3A_179 = arith.constant 0 : i32
      %dma_start3A_180 = tpu.memref_slice %arg4[%arg1, %dma_start3A_178, %dma_start3A_179] : memref<16x79x128xi32, #tpu.memory_space<hbm>> -> memref<1x79x128xi32, #tpu.memory_space<hbm>>
      %dma_start3A_181 = tpu.memref_squeeze %dma_start3A_180 : memref<1x79x128xi32, #tpu.memory_space<hbm>> -> memref<79x128xi32, #tpu.memory_space<hbm>>
      tpu.enqueue_dma source(%dma_start3A_181 : memref<79x128xi32, #tpu.memory_space<hbm>>) target(%arg7 : memref<79x128xi32, #tpu.memory_space<vmem>>) target_semaphore(%run_scoped3A : memref<!tpu.dma_semaphore, #tpu.memory_space<semaphore_mem>>)
      %dma_wait3A = arith.constant 0 : i32
      %dma_wait3A_182 = arith.constant 0 : i32
      %dma_wait3A_183 = tpu.memref_slice %arg4[%arg1, %dma_wait3A, %dma_wait3A_182] : memref<16x79x128xi32, #tpu.memory_space<hbm>> -> memref<1x79x128xi32, #tpu.memory_space<hbm>>
      %dma_wait3A_184 = tpu.memref_squeeze %dma_wait3A_183 : memref<1x79x128xi32, #tpu.memory_space<hbm>> -> memref<79x128xi32, #tpu.memory_space<hbm>>
      %dma_wait3A_185 = arith.constant 0 : i32
      %dma_wait3A_186 = arith.constant 0 : i32
      %dma_wait3A_187 = tpu.memref_slice %arg4[%arg1, %dma_wait3A_185, %dma_wait3A_186] : memref<16x79x128xi32, #tpu.memory_space<hbm>> -> memref<1x79x128xi32, #tpu.memory_space<hbm>>
      %dma_wait3A_188 = tpu.memref_squeeze %dma_wait3A_187 : memref<1x79x128xi32, #tpu.memory_space<hbm>> -> memref<79x128xi32, #tpu.memory_space<hbm>>
      tpu.wait_dma2 semaphore(%run_scoped3A : memref<!tpu.dma_semaphore, #tpu.memory_space<semaphore_mem>>) src(%dma_wait3A_188 : memref<79x128xi32, #tpu.memory_space<hbm>>) dst(%arg7 : memref<79x128xi32, #tpu.memory_space<vmem>>)
      tpu.yield
    }) : () -> ()
    %broadcast_in_dim3A = arith.constant 0.000000e+00 : f32
    %broadcast_in_dim3A_0 = vector.broadcast %broadcast_in_dim3A : f32 to vector<16xf32>
    %scan3A = arith.constant 0 : i32
    %scan3A_1 = arith.constant 0 : i32
    %scan3A_2 = arith.constant 512 : i32
    %scan3A_3 = arith.addi %scan3A_1, %scan3A_2 : i32
    %scan3A_4 = arith.constant 1 : i32
    scf.for %scan3A_175 = %scan3A_1 to %scan3A_3 step %scan3A_4  : i32 {
      %jit3A = arith.constant 4 : i32
      %div3A = arith.divsi %scan3A_175, %jit3A : i32
      %sign3A = arith.constant 0 : i32
      %sign3A_176 = arith.cmpi sgt, %scan3A_175, %sign3A : i32
      %sign3A_177 = arith.extui %sign3A_176 : i1 to i32
      %sign3A_178 = arith.constant 0 : i32
      %sign3A_179 = arith.cmpi slt, %scan3A_175, %sign3A_178 : i32
      %sign3A_180 = arith.extui %sign3A_179 : i1 to i32
      %sign3A_181 = arith.subi %sign3A_177, %sign3A_180 : i32
      %sign3A_182 = arith.constant 0 : i32
      %sign3A_183 = arith.cmpi sgt, %jit3A, %sign3A_182 : i32
      %sign3A_184 = arith.extui %sign3A_183 : i1 to i32
      %sign3A_185 = arith.constant 0 : i32
      %sign3A_186 = arith.cmpi slt, %jit3A, %sign3A_185 : i32
      %sign3A_187 = arith.extui %sign3A_186 : i1 to i32
      %sign3A_188 = arith.subi %sign3A_184, %sign3A_187 : i32
      %ne3A = arith.cmpi ne, %sign3A_181, %sign3A_188 : i32
      %rem3A = arith.remsi %scan3A_175, %jit3A : i32
      %ne3A_189 = arith.constant 0 : i32
      %ne3A_190 = arith.cmpi ne, %rem3A, %ne3A_189 : i32
      %and3A = arith.andi %ne3A, %ne3A_190 : i1
      %sub3A = arith.constant 1 : i32
      %sub3A_191 = arith.subi %div3A, %sub3A : i32
      %select_n3A = arith.select %and3A, %sub3A_191, %div3A : i32
      %jit3A_192 = arith.constant 4 : i32
      %eq3A = arith.constant 0 : i32
      %eq3A_193 = arith.cmpi eq, %jit3A_192, %eq3A : i32
      %jit3A_194 = arith.constant 1 : i32
      %select_n3A_195 = arith.select %eq3A_193, %jit3A_194, %jit3A_192 : i32
      %rem3A_196 = arith.remsi %scan3A_175, %select_n3A_195 : i32
      %ne3A_197 = arith.constant 0 : i32
      %ne3A_198 = arith.cmpi ne, %rem3A_196, %ne3A_197 : i32
      %lt3A = arith.constant 0 : i32
      %lt3A_199 = arith.cmpi slt, %rem3A_196, %lt3A : i32
      %lt3A_200 = arith.constant 0 : i32
      %lt3A_201 = arith.cmpi slt, %select_n3A_195, %lt3A_200 : i32
      %ne3A_202 = arith.xori %lt3A_199, %lt3A_201 : i1
      %and3A_203 = arith.andi %ne3A_202, %ne3A_198 : i1
      %add3A_204 = arith.addi %rem3A_196, %select_n3A_195 : i32
      %select_n3A_205 = arith.select %and3A_203, %add3A_204, %rem3A_196 : i32
      %mul3A_206 = arith.constant 16 : i32
      %mul3A_207 = arith.muli %select_n3A_205, %mul3A_206 : i32
      %swap3A = arith.index_cast %select_n3A : i32 to index
      %swap3A_208 = arith.index_cast %mul3A_207 : i32 to index
      %swap3A_209 = tpu.vector_load %arg9[%swap3A, %swap3A_208] {strides = array<i32>} : memref<128x64xf32, #tpu.memory_space<vmem>>, vector<1x16xf32>,
      %swap3A_210 = vector.shape_cast %swap3A_209 : vector<1x16xf32> to vector<16xf32>
      %swap3A_211 = vector.shape_cast %broadcast_in_dim3A_0 : vector<16xf32> to vector<1x16xf32>
      tpu.vector_store %arg9[%swap3A, %swap3A_208], %swap3A_211 {strides = array<i32>} : memref<128x64xf32, #tpu.memory_space<vmem>>, vector<1x16xf32>,
    }
    %scan3A_5 = arith.constant 512 : i32
    %mul3A = arith.constant 4 : i32
    %mul3A_6 = arith.muli %arg0, %mul3A : i32
    %add3A = arith.constant 0 : i32
    %add3A_7 = arith.addi %mul3A_6, %add3A : i32
    %mul3A_8 = arith.constant 640 : i32
    %mul3A_9 = arith.muli %arg1, %mul3A_8 : i32
    %add3A_10 = arith.constant 0 : i32
    %add3A_11 = arith.addi %mul3A_9, %add3A_10 : i32
    "tpu.region"() ({
      %run_scoped3A = tpu.sem_alloc : memref<!tpu.dma_semaphore, #tpu.memory_space<semaphore_mem>>
      %dma_start3A = arith.constant 0 : i32
      %dma_start3A_175 = tpu.memref_slice %arg10[%add3A_11, %dma_start3A] : memref<10240x64xf32, #tpu.memory_space<vmem_shared>> -> memref<128x64xf32, #tpu.memory_space<vmem_shared>>
      %dma_start3A_176 = arith.constant 0 : i32
      %dma_start3A_177 = tpu.memref_slice %arg10[%add3A_11, %dma_start3A_176] : memref<10240x64xf32, #tpu.memory_space<vmem_shared>> -> memref<128x64xf32, #tpu.memory_space<vmem_shared>>
      tpu.enqueue_dma source(%arg9 : memref<128x64xf32, #tpu.memory_space<vmem>>) target(%dma_start3A_177 : memref<128x64xf32, #tpu.memory_space<vmem_shared>>) target_semaphore(%run_scoped3A : memref<!tpu.dma_semaphore, #tpu.memory_space<semaphore_mem>>)
      %dma_wait3A = arith.constant 0 : i32
      %dma_wait3A_178 = tpu.memref_slice %arg10[%add3A_11, %dma_wait3A] : memref<10240x64xf32, #tpu.memory_space<vmem_shared>> -> memref<128x64xf32, #tpu.memory_space<vmem_shared>>
      %dma_wait3A_179 = arith.constant 0 : i32
      %dma_wait3A_180 = tpu.memref_slice %arg10[%add3A_11, %dma_wait3A_179] : memref<10240x64xf32, #tpu.memory_space<vmem_shared>> -> memref<128x64xf32, #tpu.memory_space<vmem_shared>>
      tpu.wait_dma2 semaphore(%run_scoped3A : memref<!tpu.dma_semaphore, #tpu.memory_space<semaphore_mem>>) src(%arg9 : memref<128x64xf32, #tpu.memory_space<vmem>>) dst(%dma_wait3A_180 : memref<128x64xf32, #tpu.memory_space<vmem_shared>>)
      tpu.yield
    }) : () -> ()
    %mul3A_12 = arith.constant 640 : i32
    %mul3A_13 = arith.muli %arg1, %mul3A_12 : i32
    %add3A_14 = arith.constant 128 : i32
    %add3A_15 = arith.addi %mul3A_13, %add3A_14 : i32
    "tpu.region"() ({
      %run_scoped3A = tpu.sem_alloc : memref<!tpu.dma_semaphore, #tpu.memory_space<semaphore_mem>>
      %dma_start3A = arith.constant 0 : i32
      %dma_start3A_175 = tpu.memref_slice %arg10[%add3A_15, %dma_start3A] : memref<10240x64xf32, #tpu.memory_space<vmem_shared>> -> memref<128x64xf32, #tpu.memory_space<vmem_shared>>
      %dma_start3A_176 = arith.constant 0 : i32
      %dma_start3A_177 = tpu.memref_slice %arg10[%add3A_15, %dma_start3A_176] : memref<10240x64xf32, #tpu.memory_space<vmem_shared>> -> memref<128x64xf32, #tpu.memory_space<vmem_shared>>
      tpu.enqueue_dma source(%arg9 : memref<128x64xf32, #tpu.memory_space<vmem>>) target(%dma_start3A_177 : memref<128x64xf32, #tpu.memory_space<vmem_shared>>) target_semaphore(%run_scoped3A : memref<!tpu.dma_semaphore, #tpu.memory_space<semaphore_mem>>)
      %dma_wait3A = arith.constant 0 : i32
      %dma_wait3A_178 = tpu.memref_slice %arg10[%add3A_15, %dma_wait3A] : memref<10240x64xf32, #tpu.memory_space<vmem_shared>> -> memref<128x64xf32, #tpu.memory_space<vmem_shared>>
      %dma_wait3A_179 = arith.constant 0 : i32
      %dma_wait3A_180 = tpu.memref_slice %arg10[%add3A_15, %dma_wait3A_179] : memref<10240x64xf32, #tpu.memory_space<vmem_shared>> -> memref<128x64xf32, #tpu.memory_space<vmem_shared>>
      tpu.wait_dma2 semaphore(%run_scoped3A : memref<!tpu.dma_semaphore, #tpu.memory_space<semaphore_mem>>) src(%arg9 : memref<128x64xf32, #tpu.memory_space<vmem>>) dst(%dma_wait3A_180 : memref<128x64xf32, #tpu.memory_space<vmem_shared>>)
      tpu.yield
    }) : () -> ()
    %mul3A_16 = arith.constant 640 : i32
    %mul3A_17 = arith.muli %arg1, %mul3A_16 : i32
    %add3A_18 = arith.constant 256 : i32
    %add3A_19 = arith.addi %mul3A_17, %add3A_18 : i32
    "tpu.region"() ({
      %run_scoped3A = tpu.sem_alloc : memref<!tpu.dma_semaphore, #tpu.memory_space<semaphore_mem>>
      %dma_start3A = arith.constant 0 : i32
      %dma_start3A_175 = tpu.memref_slice %arg10[%add3A_19, %dma_start3A] : memref<10240x64xf32, #tpu.memory_space<vmem_shared>> -> memref<128x64xf32, #tpu.memory_space<vmem_shared>>
      %dma_start3A_176 = arith.constant 0 : i32
      %dma_start3A_177 = tpu.memref_slice %arg10[%add3A_19, %dma_start3A_176] : memref<10240x64xf32, #tpu.memory_space<vmem_shared>> -> memref<128x64xf32, #tpu.memory_space<vmem_shared>>
      tpu.enqueue_dma source(%arg9 : memref<128x64xf32, #tpu.memory_space<vmem>>) target(%dma_start3A_177 : memref<128x64xf32, #tpu.memory_space<vmem_shared>>) target_semaphore(%run_scoped3A : memref<!tpu.dma_semaphore, #tpu.memory_space<semaphore_mem>>)
      %dma_wait3A = arith.constant 0 : i32
      %dma_wait3A_178 = tpu.memref_slice %arg10[%add3A_19, %dma_wait3A] : memref<10240x64xf32, #tpu.memory_space<vmem_shared>> -> memref<128x64xf32, #tpu.memory_space<vmem_shared>>
      %dma_wait3A_179 = arith.constant 0 : i32
      %dma_wait3A_180 = tpu.memref_slice %arg10[%add3A_19, %dma_wait3A_179] : memref<10240x64xf32, #tpu.memory_space<vmem_shared>> -> memref<128x64xf32, #tpu.memory_space<vmem_shared>>
      tpu.wait_dma2 semaphore(%run_scoped3A : memref<!tpu.dma_semaphore, #tpu.memory_space<semaphore_mem>>) src(%arg9 : memref<128x64xf32, #tpu.memory_space<vmem>>) dst(%dma_wait3A_180 : memref<128x64xf32, #tpu.memory_space<vmem_shared>>)
      tpu.yield
    }) : () -> ()
    %mul3A_20 = arith.constant 640 : i32
    %mul3A_21 = arith.muli %arg1, %mul3A_20 : i32
    %add3A_22 = arith.constant 384 : i32
    %add3A_23 = arith.addi %mul3A_21, %add3A_22 : i32
    "tpu.region"() ({
      %run_scoped3A = tpu.sem_alloc : memref<!tpu.dma_semaphore, #tpu.memory_space<semaphore_mem>>
      %dma_start3A = arith.constant 0 : i32
      %dma_start3A_175 = tpu.memref_slice %arg10[%add3A_23, %dma_start3A] : memref<10240x64xf32, #tpu.memory_space<vmem_shared>> -> memref<128x64xf32, #tpu.memory_space<vmem_shared>>
      %dma_start3A_176 = arith.constant 0 : i32
      %dma_start3A_177 = tpu.memref_slice %arg10[%add3A_23, %dma_start3A_176] : memref<10240x64xf32, #tpu.memory_space<vmem_shared>> -> memref<128x64xf32, #tpu.memory_space<vmem_shared>>
      tpu.enqueue_dma source(%arg9 : memref<128x64xf32, #tpu.memory_space<vmem>>) target(%dma_start3A_177 : memref<128x64xf32, #tpu.memory_space<vmem_shared>>) target_semaphore(%run_scoped3A : memref<!tpu.dma_semaphore, #tpu.memory_space<semaphore_mem>>)
      %dma_wait3A = arith.constant 0 : i32
      %dma_wait3A_178 = tpu.memref_slice %arg10[%add3A_23, %dma_wait3A] : memref<10240x64xf32, #tpu.memory_space<vmem_shared>> -> memref<128x64xf32, #tpu.memory_space<vmem_shared>>
      %dma_wait3A_179 = arith.constant 0 : i32
      %dma_wait3A_180 = tpu.memref_slice %arg10[%add3A_23, %dma_wait3A_179] : memref<10240x64xf32, #tpu.memory_space<vmem_shared>> -> memref<128x64xf32, #tpu.memory_space<vmem_shared>>
      tpu.wait_dma2 semaphore(%run_scoped3A : memref<!tpu.dma_semaphore, #tpu.memory_space<semaphore_mem>>) src(%arg9 : memref<128x64xf32, #tpu.memory_space<vmem>>) dst(%dma_wait3A_180 : memref<128x64xf32, #tpu.memory_space<vmem_shared>>)
      tpu.yield
    }) : () -> ()
    %mul3A_24 = arith.constant 640 : i32
    %mul3A_25 = arith.muli %arg1, %mul3A_24 : i32
    %add3A_26 = arith.constant 512 : i32
    %add3A_27 = arith.addi %mul3A_25, %add3A_26 : i32
    "tpu.region"() ({
      %run_scoped3A = tpu.sem_alloc : memref<!tpu.dma_semaphore, #tpu.memory_space<semaphore_mem>>
      %dma_start3A = arith.constant 0 : i32
      %dma_start3A_175 = tpu.memref_slice %arg10[%add3A_27, %dma_start3A] : memref<10240x64xf32, #tpu.memory_space<vmem_shared>> -> memref<128x64xf32, #tpu.memory_space<vmem_shared>>
      %dma_start3A_176 = arith.constant 0 : i32
      %dma_start3A_177 = tpu.memref_slice %arg10[%add3A_27, %dma_start3A_176] : memref<10240x64xf32, #tpu.memory_space<vmem_shared>> -> memref<128x64xf32, #tpu.memory_space<vmem_shared>>
      tpu.enqueue_dma source(%arg9 : memref<128x64xf32, #tpu.memory_space<vmem>>) target(%dma_start3A_177 : memref<128x64xf32, #tpu.memory_space<vmem_shared>>) target_semaphore(%run_scoped3A : memref<!tpu.dma_semaphore, #tpu.memory_space<semaphore_mem>>)
      %dma_wait3A = arith.constant 0 : i32
      %dma_wait3A_178 = tpu.memref_slice %arg10[%add3A_27, %dma_wait3A] : memref<10240x64xf32, #tpu.memory_space<vmem_shared>> -> memref<128x64xf32, #tpu.memory_space<vmem_shared>>
      %dma_wait3A_179 = arith.constant 0 : i32
      %dma_wait3A_180 = tpu.memref_slice %arg10[%add3A_27, %dma_wait3A_179] : memref<10240x64xf32, #tpu.memory_space<vmem_shared>> -> memref<128x64xf32, #tpu.memory_space<vmem_shared>>
      tpu.wait_dma2 semaphore(%run_scoped3A : memref<!tpu.dma_semaphore, #tpu.memory_space<semaphore_mem>>) src(%arg9 : memref<128x64xf32, #tpu.memory_space<vmem>>) dst(%dma_wait3A_180 : memref<128x64xf32, #tpu.memory_space<vmem_shared>>)
      tpu.yield
    }) : () -> ()
    %mul3A_28 = arith.constant 16 : i32
    %mul3A_29 = arith.muli %add3A_7, %mul3A_28 : i32
    %add3A_30 = arith.addi %mul3A_29, %arg1 : i32
    "tpu.region"() ({
      %run_scoped3A = tpu.sem_alloc : memref<!tpu.dma_semaphore, #tpu.memory_space<semaphore_mem>>
      %dma_start3A = arith.constant 0 : i32
      %dma_start3A_175 = arith.constant 0 : i32
      %dma_start3A_176 = tpu.memref_slice %arg3[%add3A_30, %dma_start3A, %dma_start3A_175] : memref<128x79x128xi32, #tpu.memory_space<hbm>> -> memref<1x79x128xi32, #tpu.memory_space<hbm>>
      %dma_start3A_177 = tpu.memref_squeeze %dma_start3A_176 : memref<1x79x128xi32, #tpu.memory_space<hbm>> -> memref<79x128xi32, #tpu.memory_space<hbm>>
      %dma_start3A_178 = arith.constant 0 : i32
      %dma_start3A_179 = arith.constant 0 : i32
      %dma_start3A_180 = tpu.memref_slice %arg3[%add3A_30, %dma_start3A_178, %dma_start3A_179] : memref<128x79x128xi32, #tpu.memory_space<hbm>> -> memref<1x79x128xi32, #tpu.memory_space<hbm>>
      %dma_start3A_181 = tpu.memref_squeeze %dma_start3A_180 : memref<1x79x128xi32, #tpu.memory_space<hbm>> -> memref<79x128xi32, #tpu.memory_space<hbm>>
      tpu.enqueue_dma source(%dma_start3A_181 : memref<79x128xi32, #tpu.memory_space<hbm>>) target(%arg6 : memref<79x128xi32, #tpu.memory_space<vmem>>) target_semaphore(%run_scoped3A : memref<!tpu.dma_semaphore, #tpu.memory_space<semaphore_mem>>)
      %dma_wait3A = arith.constant 0 : i32
      %dma_wait3A_182 = arith.constant 0 : i32
      %dma_wait3A_183 = tpu.memref_slice %arg3[%add3A_30, %dma_wait3A, %dma_wait3A_182] : memref<128x79x128xi32, #tpu.memory_space<hbm>> -> memref<1x79x128xi32, #tpu.memory_space<hbm>>
      %dma_wait3A_184 = tpu.memref_squeeze %dma_wait3A_183 : memref<1x79x128xi32, #tpu.memory_space<hbm>> -> memref<79x128xi32, #tpu.memory_space<hbm>>
      %dma_wait3A_185 = arith.constant 0 : i32
      %dma_wait3A_186 = arith.constant 0 : i32
      %dma_wait3A_187 = tpu.memref_slice %arg3[%add3A_30, %dma_wait3A_185, %dma_wait3A_186] : memref<128x79x128xi32, #tpu.memory_space<hbm>> -> memref<1x79x128xi32, #tpu.memory_space<hbm>>
      %dma_wait3A_188 = tpu.memref_squeeze %dma_wait3A_187 : memref<1x79x128xi32, #tpu.memory_space<hbm>> -> memref<79x128xi32, #tpu.memory_space<hbm>>
      tpu.wait_dma2 semaphore(%run_scoped3A : memref<!tpu.dma_semaphore, #tpu.memory_space<semaphore_mem>>) src(%dma_wait3A_188 : memref<79x128xi32, #tpu.memory_space<hbm>>) dst(%arg6 : memref<79x128xi32, #tpu.memory_space<vmem>>)
      tpu.yield
    }) : () -> ()
    %barrier3A = arith.constant 0 : index
    tpu.barrier barrier_id(%barrier3A)
    %scan3A_31 = arith.constant 0 : i32
    %scan3A_32 = arith.constant 0 : i32
    %scan3A_33 = arith.constant 79 : i32
    %scan3A_34 = arith.addi %scan3A_32, %scan3A_33 : i32
    %scan3A_35 = arith.constant 1 : i32
    scf.for %scan3A_175 = %scan3A_32 to %scan3A_34 step %scan3A_35  : i32 {
      "tpu.region"() ({
        %run_scoped3A = tpu.sem_alloc : memref<!tpu.dma_semaphore, #tpu.memory_space<semaphore_mem>>
        %dma_start3A = arith.constant 0 : i32
        %dma_start3A_176 = tpu.memref_slice %arg6[%scan3A_175, %dma_start3A] : memref<79x128xi32, #tpu.memory_space<vmem>> -> memref<1x128xi32, #tpu.memory_space<vmem>>
        %dma_start3A_177 = tpu.memref_squeeze %dma_start3A_176 : memref<1x128xi32, #tpu.memory_space<vmem>> -> memref<128xi32, #tpu.memory_space<vmem>>
        %dma_start3A_178 = arith.constant 0 : i32
        %dma_start3A_179 = arith.constant 0 : i32
        %dma_start3A_180 = tpu.memref_slice %arg2[%dma_start3A_178, %dma_start3A_179] : memref<81920x64xf32, #tpu.memory_space<hbm>> -> memref<81920x64xf32, #tpu.memory_space<hbm>>
        tpu.enqueue_indirect_dma source(%dma_start3A_180 : memref<81920x64xf32, #tpu.memory_space<hbm>>) target(%arg8 : memref<128x64xf32, #tpu.memory_space<vmem>>) offsets(%dma_start3A_177 : memref<128xi32, #tpu.memory_space<vmem>>) semaphore(%run_scoped3A : memref<!tpu.dma_semaphore, #tpu.memory_space<semaphore_mem>>)
        %dma_wait3A = arith.constant 0 : i32
        %dma_wait3A_181 = tpu.memref_slice %arg6[%scan3A_175, %dma_wait3A] : memref<79x128xi32, #tpu.memory_space<vmem>> -> memref<1x128xi32, #tpu.memory_space<vmem>>
        %dma_wait3A_182 = tpu.memref_squeeze %dma_wait3A_181 : memref<1x128xi32, #tpu.memory_space<vmem>> -> memref<128xi32, #tpu.memory_space<vmem>>
        %dma_wait3A_183 = arith.constant 0 : i32
        %dma_wait3A_184 = arith.constant 0 : i32
        %dma_wait3A_185 = tpu.memref_slice %arg2[%dma_wait3A_183, %dma_wait3A_184] : memref<81920x64xf32, #tpu.memory_space<hbm>> -> memref<81920x64xf32, #tpu.memory_space<hbm>>
        tpu.wait_indirect_dma semaphore(%run_scoped3A : memref<!tpu.dma_semaphore, #tpu.memory_space<semaphore_mem>>) src(%dma_wait3A_185 : memref<81920x64xf32, #tpu.memory_space<hbm>>) dst(%arg8 : memref<128x64xf32, #tpu.memory_space<vmem>>)
        tpu.yield
      }) : () -> ()
      "tpu.region"() ({
        %run_scoped3A = tpu.sem_alloc : memref<!tpu.dma_semaphore, #tpu.memory_space<semaphore_mem>>
        %dma_start3A = arith.constant 0 : i32
        %dma_start3A_176 = tpu.memref_slice %arg7[%scan3A_175, %dma_start3A] : memref<79x128xi32, #tpu.memory_space<vmem>> -> memref<1x128xi32, #tpu.memory_space<vmem>>
        %dma_start3A_177 = tpu.memref_squeeze %dma_start3A_176 : memref<1x128xi32, #tpu.memory_space<vmem>> -> memref<128xi32, #tpu.memory_space<vmem>>
        %dma_start3A_178 = arith.constant 0 : i32
        %dma_start3A_179 = arith.constant 0 : i32
        %dma_start3A_180 = tpu.memref_slice %arg10[%dma_start3A_178, %dma_start3A_179] : memref<10240x64xf32, #tpu.memory_space<vmem_shared>> -> memref<10240x64xf32, #tpu.memory_space<vmem_shared>>
        tpu.enqueue_indirect_dma source(%arg8 : memref<128x64xf32, #tpu.memory_space<vmem>>) target(%dma_start3A_180 : memref<10240x64xf32, #tpu.memory_space<vmem_shared>>) offsets(%dma_start3A_177 : memref<128xi32, #tpu.memory_space<vmem>>) semaphore(%run_scoped3A : memref<!tpu.dma_semaphore, #tpu.memory_space<semaphore_mem>>) {add = true}
        %dma_wait3A = arith.constant 0 : i32
        %dma_wait3A_181 = tpu.memref_slice %arg7[%scan3A_175, %dma_wait3A] : memref<79x128xi32, #tpu.memory_space<vmem>> -> memref<1x128xi32, #tpu.memory_space<vmem>>
        %dma_wait3A_182 = tpu.memref_squeeze %dma_wait3A_181 : memref<1x128xi32, #tpu.memory_space<vmem>> -> memref<128xi32, #tpu.memory_space<vmem>>
        %dma_wait3A_183 = arith.constant 0 : i32
        %dma_wait3A_184 = arith.constant 0 : i32
        %dma_wait3A_185 = tpu.memref_slice %arg10[%dma_wait3A_183, %dma_wait3A_184] : memref<10240x64xf32, #tpu.memory_space<vmem_shared>> -> memref<10240x64xf32, #tpu.memory_space<vmem_shared>>
        tpu.wait_indirect_dma semaphore(%run_scoped3A : memref<!tpu.dma_semaphore, #tpu.memory_space<semaphore_mem>>) src(%arg8 : memref<128x64xf32, #tpu.memory_space<vmem>>) dst(%dma_wait3A_185 : memref<10240x64xf32, #tpu.memory_space<vmem_shared>>)
        tpu.yield
      }) : () -> ()
    }
    %scan3A_36 = arith.constant 79 : i32
    %barrier3A_37 = arith.constant 0 : index
    tpu.barrier barrier_id(%barrier3A_37)
    %mul3A_38 = arith.constant 640 : i32
    %mul3A_39 = arith.muli %arg1, %mul3A_38 : i32
    %mul3A_40 = arith.constant 10240 : i32
    %mul3A_41 = arith.muli %add3A_7, %mul3A_40 : i32
    %mul3A_42 = arith.constant 640 : i32
    %mul3A_43 = arith.muli %arg1, %mul3A_42 : i32
    %add3A_44 = arith.addi %mul3A_41, %mul3A_43 : i32
    "tpu.region"() ({
      %run_scoped3A = tpu.sem_alloc : memref<!tpu.dma_semaphore, #tpu.memory_space<semaphore_mem>>
      %dma_start3A = arith.constant 0 : i32
      %dma_start3A_175 = tpu.memref_slice %arg5[%add3A_44, %dma_start3A] : memref<81920x64xf32, #tpu.memory_space<hbm>> -> memref<640x64xf32, #tpu.memory_space<hbm>>
      %dma_start3A_176 = arith.constant 0 : i32
      %dma_start3A_177 = tpu.memref_slice %arg10[%mul3A_39, %dma_start3A_176] : memref<10240x64xf32, #tpu.memory_space<vmem_shared>> -> memref<640x64xf32, #tpu.memory_space<vmem_shared>>
      tpu.enqueue_dma source(%dma_start3A_177 : memref<640x64xf32, #tpu.memory_space<vmem_shared>>) target(%dma_start3A_175 : memref<640x64xf32, #tpu.memory_space<hbm>>) target_semaphore(%run_scoped3A : memref<!tpu.dma_semaphore, #tpu.memory_space<semaphore_mem>>)
      %dma_wait3A = arith.constant 0 : i32
      %dma_wait3A_178 = tpu.memref_slice %arg5[%add3A_44, %dma_wait3A] : memref<81920x64xf32, #tpu.memory_space<hbm>> -> memref<640x64xf32, #tpu.memory_space<hbm>>
      %dma_wait3A_179 = arith.constant 0 : i32
      %dma_wait3A_180 = tpu.memref_slice %arg10[%mul3A_39, %dma_wait3A_179] : memref<10240x64xf32, #tpu.memory_space<vmem_shared>> -> memref<640x64xf32, #tpu.memory_space<vmem_shared>>
      tpu.wait_dma2 semaphore(%run_scoped3A : memref<!tpu.dma_semaphore, #tpu.memory_space<semaphore_mem>>) src(%dma_wait3A_180 : memref<640x64xf32, #tpu.memory_space<vmem_shared>>) dst(%dma_wait3A_178 : memref<640x64xf32, #tpu.memory_space<hbm>>)
      tpu.yield
    }) : () -> ()
    %barrier3A_45 = arith.constant 0 : index
    tpu.barrier barrier_id(%barrier3A_45)
    %mul3A_46 = arith.constant 4 : i32
    %mul3A_47 = arith.muli %arg0, %mul3A_46 : i32
    %add3A_48 = arith.constant 1 : i32
    %add3A_49 = arith.addi %mul3A_47, %add3A_48 : i32
    %mul3A_50 = arith.constant 640 : i32
    %mul3A_51 = arith.muli %arg1, %mul3A_50 : i32
    %add3A_52 = arith.constant 0 : i32
    %add3A_53 = arith.addi %mul3A_51, %add3A_52 : i32
    "tpu.region"() ({
      %run_scoped3A = tpu.sem_alloc : memref<!tpu.dma_semaphore, #tpu.memory_space<semaphore_mem>>
      %dma_start3A = arith.constant 0 : i32
      %dma_start3A_175 = tpu.memref_slice %arg10[%add3A_53, %dma_start3A] : memref<10240x64xf32, #tpu.memory_space<vmem_shared>> -> memref<128x64xf32, #tpu.memory_space<vmem_shared>>
      %dma_start3A_176 = arith.constant 0 : i32
      %dma_start3A_177 = tpu.memref_slice %arg10[%add3A_53, %dma_start3A_176] : memref<10240x64xf32, #tpu.memory_space<vmem_shared>> -> memref<128x64xf32, #tpu.memory_space<vmem_shared>>
      tpu.enqueue_dma source(%arg9 : memref<128x64xf32, #tpu.memory_space<vmem>>) target(%dma_start3A_177 : memref<128x64xf32, #tpu.memory_space<vmem_shared>>) target_semaphore(%run_scoped3A : memref<!tpu.dma_semaphore, #tpu.memory_space<semaphore_mem>>)
      %dma_wait3A = arith.constant 0 : i32
      %dma_wait3A_178 = tpu.memref_slice %arg10[%add3A_53, %dma_wait3A] : memref<10240x64xf32, #tpu.memory_space<vmem_shared>> -> memref<128x64xf32, #tpu.memory_space<vmem_shared>>
      %dma_wait3A_179 = arith.constant 0 : i32
      %dma_wait3A_180 = tpu.memref_slice %arg10[%add3A_53, %dma_wait3A_179] : memref<10240x64xf32, #tpu.memory_space<vmem_shared>> -> memref<128x64xf32, #tpu.memory_space<vmem_shared>>
      tpu.wait_dma2 semaphore(%run_scoped3A : memref<!tpu.dma_semaphore, #tpu.memory_space<semaphore_mem>>) src(%arg9 : memref<128x64xf32, #tpu.memory_space<vmem>>) dst(%dma_wait3A_180 : memref<128x64xf32, #tpu.memory_space<vmem_shared>>)
      tpu.yield
    }) : () -> ()
    %mul3A_54 = arith.constant 640 : i32
    %mul3A_55 = arith.muli %arg1, %mul3A_54 : i32
    %add3A_56 = arith.constant 128 : i32
    %add3A_57 = arith.addi %mul3A_55, %add3A_56 : i32
    "tpu.region"() ({
      %run_scoped3A = tpu.sem_alloc : memref<!tpu.dma_semaphore, #tpu.memory_space<semaphore_mem>>
      %dma_start3A = arith.constant 0 : i32
      %dma_start3A_175 = tpu.memref_slice %arg10[%add3A_57, %dma_start3A] : memref<10240x64xf32, #tpu.memory_space<vmem_shared>> -> memref<128x64xf32, #tpu.memory_space<vmem_shared>>
      %dma_start3A_176 = arith.constant 0 : i32
      %dma_start3A_177 = tpu.memref_slice %arg10[%add3A_57, %dma_start3A_176] : memref<10240x64xf32, #tpu.memory_space<vmem_shared>> -> memref<128x64xf32, #tpu.memory_space<vmem_shared>>
      tpu.enqueue_dma source(%arg9 : memref<128x64xf32, #tpu.memory_space<vmem>>) target(%dma_start3A_177 : memref<128x64xf32, #tpu.memory_space<vmem_shared>>) target_semaphore(%run_scoped3A : memref<!tpu.dma_semaphore, #tpu.memory_space<semaphore_mem>>)
      %dma_wait3A = arith.constant 0 : i32
      %dma_wait3A_178 = tpu.memref_slice %arg10[%add3A_57, %dma_wait3A] : memref<10240x64xf32, #tpu.memory_space<vmem_shared>> -> memref<128x64xf32, #tpu.memory_space<vmem_shared>>
      %dma_wait3A_179 = arith.constant 0 : i32
      %dma_wait3A_180 = tpu.memref_slice %arg10[%add3A_57, %dma_wait3A_179] : memref<10240x64xf32, #tpu.memory_space<vmem_shared>> -> memref<128x64xf32, #tpu.memory_space<vmem_shared>>
      tpu.wait_dma2 semaphore(%run_scoped3A : memref<!tpu.dma_semaphore, #tpu.memory_space<semaphore_mem>>) src(%arg9 : memref<128x64xf32, #tpu.memory_space<vmem>>) dst(%dma_wait3A_180 : memref<128x64xf32, #tpu.memory_space<vmem_shared>>)
      tpu.yield
    }) : () -> ()
    %mul3A_58 = arith.constant 640 : i32
    %mul3A_59 = arith.muli %arg1, %mul3A_58 : i32
    %add3A_60 = arith.constant 256 : i32
    %add3A_61 = arith.addi %mul3A_59, %add3A_60 : i32
    "tpu.region"() ({
      %run_scoped3A = tpu.sem_alloc : memref<!tpu.dma_semaphore, #tpu.memory_space<semaphore_mem>>
      %dma_start3A = arith.constant 0 : i32
      %dma_start3A_175 = tpu.memref_slice %arg10[%add3A_61, %dma_start3A] : memref<10240x64xf32, #tpu.memory_space<vmem_shared>> -> memref<128x64xf32, #tpu.memory_space<vmem_shared>>
      %dma_start3A_176 = arith.constant 0 : i32
      %dma_start3A_177 = tpu.memref_slice %arg10[%add3A_61, %dma_start3A_176] : memref<10240x64xf32, #tpu.memory_space<vmem_shared>> -> memref<128x64xf32, #tpu.memory_space<vmem_shared>>
      tpu.enqueue_dma source(%arg9 : memref<128x64xf32, #tpu.memory_space<vmem>>) target(%dma_start3A_177 : memref<128x64xf32, #tpu.memory_space<vmem_shared>>) target_semaphore(%run_scoped3A : memref<!tpu.dma_semaphore, #tpu.memory_space<semaphore_mem>>)
      %dma_wait3A = arith.constant 0 : i32
      %dma_wait3A_178 = tpu.memref_slice %arg10[%add3A_61, %dma_wait3A] : memref<10240x64xf32, #tpu.memory_space<vmem_shared>> -> memref<128x64xf32, #tpu.memory_space<vmem_shared>>
      %dma_wait3A_179 = arith.constant 0 : i32
      %dma_wait3A_180 = tpu.memref_slice %arg10[%add3A_61, %dma_wait3A_179] : memref<10240x64xf32, #tpu.memory_space<vmem_shared>> -> memref<128x64xf32, #tpu.memory_space<vmem_shared>>
      tpu.wait_dma2 semaphore(%run_scoped3A : memref<!tpu.dma_semaphore, #tpu.memory_space<semaphore_mem>>) src(%arg9 : memref<128x64xf32, #tpu.memory_space<vmem>>) dst(%dma_wait3A_180 : memref<128x64xf32, #tpu.memory_space<vmem_shared>>)
      tpu.yield
    }) : () -> ()
    %mul3A_62 = arith.constant 640 : i32
    %mul3A_63 = arith.muli %arg1, %mul3A_62 : i32
    %add3A_64 = arith.constant 384 : i32
    %add3A_65 = arith.addi %mul3A_63, %add3A_64 : i32
    "tpu.region"() ({
      %run_scoped3A = tpu.sem_alloc : memref<!tpu.dma_semaphore, #tpu.memory_space<semaphore_mem>>
      %dma_start3A = arith.constant 0 : i32
      %dma_start3A_175 = tpu.memref_slice %arg10[%add3A_65, %dma_start3A] : memref<10240x64xf32, #tpu.memory_space<vmem_shared>> -> memref<128x64xf32, #tpu.memory_space<vmem_shared>>
      %dma_start3A_176 = arith.constant 0 : i32
      %dma_start3A_177 = tpu.memref_slice %arg10[%add3A_65, %dma_start3A_176] : memref<10240x64xf32, #tpu.memory_space<vmem_shared>> -> memref<128x64xf32, #tpu.memory_space<vmem_shared>>
      tpu.enqueue_dma source(%arg9 : memref<128x64xf32, #tpu.memory_space<vmem>>) target(%dma_start3A_177 : memref<128x64xf32, #tpu.memory_space<vmem_shared>>) target_semaphore(%run_scoped3A : memref<!tpu.dma_semaphore, #tpu.memory_space<semaphore_mem>>)
      %dma_wait3A = arith.constant 0 : i32
      %dma_wait3A_178 = tpu.memref_slice %arg10[%add3A_65, %dma_wait3A] : memref<10240x64xf32, #tpu.memory_space<vmem_shared>> -> memref<128x64xf32, #tpu.memory_space<vmem_shared>>
      %dma_wait3A_179 = arith.constant 0 : i32
      %dma_wait3A_180 = tpu.memref_slice %arg10[%add3A_65, %dma_wait3A_179] : memref<10240x64xf32, #tpu.memory_space<vmem_shared>> -> memref<128x64xf32, #tpu.memory_space<vmem_shared>>
      tpu.wait_dma2 semaphore(%run_scoped3A : memref<!tpu.dma_semaphore, #tpu.memory_space<semaphore_mem>>) src(%arg9 : memref<128x64xf32, #tpu.memory_space<vmem>>) dst(%dma_wait3A_180 : memref<128x64xf32, #tpu.memory_space<vmem_shared>>)
      tpu.yield
    }) : () -> ()
    %mul3A_66 = arith.constant 640 : i32
    %mul3A_67 = arith.muli %arg1, %mul3A_66 : i32
    %add3A_68 = arith.constant 512 : i32
    %add3A_69 = arith.addi %mul3A_67, %add3A_68 : i32
    "tpu.region"() ({
      %run_scoped3A = tpu.sem_alloc : memref<!tpu.dma_semaphore, #tpu.memory_space<semaphore_mem>>
      %dma_start3A = arith.constant 0 : i32
      %dma_start3A_175 = tpu.memref_slice %arg10[%add3A_69, %dma_start3A] : memref<10240x64xf32, #tpu.memory_space<vmem_shared>> -> memref<128x64xf32, #tpu.memory_space<vmem_shared>>
      %dma_start3A_176 = arith.constant 0 : i32
      %dma_start3A_177 = tpu.memref_slice %arg10[%add3A_69, %dma_start3A_176] : memref<10240x64xf32, #tpu.memory_space<vmem_shared>> -> memref<128x64xf32, #tpu.memory_space<vmem_shared>>
      tpu.enqueue_dma source(%arg9 : memref<128x64xf32, #tpu.memory_space<vmem>>) target(%dma_start3A_177 : memref<128x64xf32, #tpu.memory_space<vmem_shared>>) target_semaphore(%run_scoped3A : memref<!tpu.dma_semaphore, #tpu.memory_space<semaphore_mem>>)
      %dma_wait3A = arith.constant 0 : i32
      %dma_wait3A_178 = tpu.memref_slice %arg10[%add3A_69, %dma_wait3A] : memref<10240x64xf32, #tpu.memory_space<vmem_shared>> -> memref<128x64xf32, #tpu.memory_space<vmem_shared>>
      %dma_wait3A_179 = arith.constant 0 : i32
      %dma_wait3A_180 = tpu.memref_slice %arg10[%add3A_69, %dma_wait3A_179] : memref<10240x64xf32, #tpu.memory_space<vmem_shared>> -> memref<128x64xf32, #tpu.memory_space<vmem_shared>>
      tpu.wait_dma2 semaphore(%run_scoped3A : memref<!tpu.dma_semaphore, #tpu.memory_space<semaphore_mem>>) src(%arg9 : memref<128x64xf32, #tpu.memory_space<vmem>>) dst(%dma_wait3A_180 : memref<128x64xf32, #tpu.memory_space<vmem_shared>>)
      tpu.yield
    }) : () -> ()
    %mul3A_70 = arith.constant 16 : i32
    %mul3A_71 = arith.muli %add3A_49, %mul3A_70 : i32
    %add3A_72 = arith.addi %mul3A_71, %arg1 : i32
    "tpu.region"() ({
      %run_scoped3A = tpu.sem_alloc : memref<!tpu.dma_semaphore, #tpu.memory_space<semaphore_mem>>
      %dma_start3A = arith.constant 0 : i32
      %dma_start3A_175 = arith.constant 0 : i32
      %dma_start3A_176 = tpu.memref_slice %arg3[%add3A_72, %dma_start3A, %dma_start3A_175] : memref<128x79x128xi32, #tpu.memory_space<hbm>> -> memref<1x79x128xi32, #tpu.memory_space<hbm>>
      %dma_start3A_177 = tpu.memref_squeeze %dma_start3A_176 : memref<1x79x128xi32, #tpu.memory_space<hbm>> -> memref<79x128xi32, #tpu.memory_space<hbm>>
      %dma_start3A_178 = arith.constant 0 : i32
      %dma_start3A_179 = arith.constant 0 : i32
      %dma_start3A_180 = tpu.memref_slice %arg3[%add3A_72, %dma_start3A_178, %dma_start3A_179] : memref<128x79x128xi32, #tpu.memory_space<hbm>> -> memref<1x79x128xi32, #tpu.memory_space<hbm>>
      %dma_start3A_181 = tpu.memref_squeeze %dma_start3A_180 : memref<1x79x128xi32, #tpu.memory_space<hbm>> -> memref<79x128xi32, #tpu.memory_space<hbm>>
      tpu.enqueue_dma source(%dma_start3A_181 : memref<79x128xi32, #tpu.memory_space<hbm>>) target(%arg6 : memref<79x128xi32, #tpu.memory_space<vmem>>) target_semaphore(%run_scoped3A : memref<!tpu.dma_semaphore, #tpu.memory_space<semaphore_mem>>)
      %dma_wait3A = arith.constant 0 : i32
      %dma_wait3A_182 = arith.constant 0 : i32
      %dma_wait3A_183 = tpu.memref_slice %arg3[%add3A_72, %dma_wait3A, %dma_wait3A_182] : memref<128x79x128xi32, #tpu.memory_space<hbm>> -> memref<1x79x128xi32, #tpu.memory_space<hbm>>
      %dma_wait3A_184 = tpu.memref_squeeze %dma_wait3A_183 : memref<1x79x128xi32, #tpu.memory_space<hbm>> -> memref<79x128xi32, #tpu.memory_space<hbm>>
      %dma_wait3A_185 = arith.constant 0 : i32
      %dma_wait3A_186 = arith.constant 0 : i32
      %dma_wait3A_187 = tpu.memref_slice %arg3[%add3A_72, %dma_wait3A_185, %dma_wait3A_186] : memref<128x79x128xi32, #tpu.memory_space<hbm>> -> memref<1x79x128xi32, #tpu.memory_space<hbm>>
      %dma_wait3A_188 = tpu.memref_squeeze %dma_wait3A_187 : memref<1x79x128xi32, #tpu.memory_space<hbm>> -> memref<79x128xi32, #tpu.memory_space<hbm>>
      tpu.wait_dma2 semaphore(%run_scoped3A : memref<!tpu.dma_semaphore, #tpu.memory_space<semaphore_mem>>) src(%dma_wait3A_188 : memref<79x128xi32, #tpu.memory_space<hbm>>) dst(%arg6 : memref<79x128xi32, #tpu.memory_space<vmem>>)
      tpu.yield
    }) : () -> ()
    %barrier3A_73 = arith.constant 0 : index
    tpu.barrier barrier_id(%barrier3A_73)
    %scan3A_74 = arith.constant 0 : i32
    %scan3A_75 = arith.constant 0 : i32
    %scan3A_76 = arith.constant 79 : i32
    %scan3A_77 = arith.addi %scan3A_75, %scan3A_76 : i32
    %scan3A_78 = arith.constant 1 : i32
    scf.for %scan3A_175 = %scan3A_75 to %scan3A_77 step %scan3A_78  : i32 {
      "tpu.region"() ({
        %run_scoped3A = tpu.sem_alloc : memref<!tpu.dma_semaphore, #tpu.memory_space<semaphore_mem>>
        %dma_start3A = arith.constant 0 : i32
        %dma_start3A_176 = tpu.memref_slice %arg6[%scan3A_175, %dma_start3A] : memref<79x128xi32, #tpu.memory_space<vmem>> -> memref<1x128xi32, #tpu.memory_space<vmem>>
        %dma_start3A_177 = tpu.memref_squeeze %dma_start3A_176 : memref<1x128xi32, #tpu.memory_space<vmem>> -> memref<128xi32, #tpu.memory_space<vmem>>
        %dma_start3A_178 = arith.constant 0 : i32
        %dma_start3A_179 = arith.constant 0 : i32
        %dma_start3A_180 = tpu.memref_slice %arg2[%dma_start3A_178, %dma_start3A_179] : memref<81920x64xf32, #tpu.memory_space<hbm>> -> memref<81920x64xf32, #tpu.memory_space<hbm>>
        tpu.enqueue_indirect_dma source(%dma_start3A_180 : memref<81920x64xf32, #tpu.memory_space<hbm>>) target(%arg8 : memref<128x64xf32, #tpu.memory_space<vmem>>) offsets(%dma_start3A_177 : memref<128xi32, #tpu.memory_space<vmem>>) semaphore(%run_scoped3A : memref<!tpu.dma_semaphore, #tpu.memory_space<semaphore_mem>>)
        %dma_wait3A = arith.constant 0 : i32
        %dma_wait3A_181 = tpu.memref_slice %arg6[%scan3A_175, %dma_wait3A] : memref<79x128xi32, #tpu.memory_space<vmem>> -> memref<1x128xi32, #tpu.memory_space<vmem>>
        %dma_wait3A_182 = tpu.memref_squeeze %dma_wait3A_181 : memref<1x128xi32, #tpu.memory_space<vmem>> -> memref<128xi32, #tpu.memory_space<vmem>>
        %dma_wait3A_183 = arith.constant 0 : i32
        %dma_wait3A_184 = arith.constant 0 : i32
        %dma_wait3A_185 = tpu.memref_slice %arg2[%dma_wait3A_183, %dma_wait3A_184] : memref<81920x64xf32, #tpu.memory_space<hbm>> -> memref<81920x64xf32, #tpu.memory_space<hbm>>
        tpu.wait_indirect_dma semaphore(%run_scoped3A : memref<!tpu.dma_semaphore, #tpu.memory_space<semaphore_mem>>) src(%dma_wait3A_185 : memref<81920x64xf32, #tpu.memory_space<hbm>>) dst(%arg8 : memref<128x64xf32, #tpu.memory_space<vmem>>)
        tpu.yield
      }) : () -> ()
      "tpu.region"() ({
        %run_scoped3A = tpu.sem_alloc : memref<!tpu.dma_semaphore, #tpu.memory_space<semaphore_mem>>
        %dma_start3A = arith.constant 0 : i32
        %dma_start3A_176 = tpu.memref_slice %arg7[%scan3A_175, %dma_start3A] : memref<79x128xi32, #tpu.memory_space<vmem>> -> memref<1x128xi32, #tpu.memory_space<vmem>>
        %dma_start3A_177 = tpu.memref_squeeze %dma_start3A_176 : memref<1x128xi32, #tpu.memory_space<vmem>> -> memref<128xi32, #tpu.memory_space<vmem>>
        %dma_start3A_178 = arith.constant 0 : i32
        %dma_start3A_179 = arith.constant 0 : i32
        %dma_start3A_180 = tpu.memref_slice %arg10[%dma_start3A_178, %dma_start3A_179] : memref<10240x64xf32, #tpu.memory_space<vmem_shared>> -> memref<10240x64xf32, #tpu.memory_space<vmem_shared>>
        tpu.enqueue_indirect_dma source(%arg8 : memref<128x64xf32, #tpu.memory_space<vmem>>) target(%dma_start3A_180 : memref<10240x64xf32, #tpu.memory_space<vmem_shared>>) offsets(%dma_start3A_177 : memref<128xi32, #tpu.memory_space<vmem>>) semaphore(%run_scoped3A : memref<!tpu.dma_semaphore, #tpu.memory_space<semaphore_mem>>) {add = true}
        %dma_wait3A = arith.constant 0 : i32
        %dma_wait3A_181 = tpu.memref_slice %arg7[%scan3A_175, %dma_wait3A] : memref<79x128xi32, #tpu.memory_space<vmem>> -> memref<1x128xi32, #tpu.memory_space<vmem>>
        %dma_wait3A_182 = tpu.memref_squeeze %dma_wait3A_181 : memref<1x128xi32, #tpu.memory_space<vmem>> -> memref<128xi32, #tpu.memory_space<vmem>>
        %dma_wait3A_183 = arith.constant 0 : i32
        %dma_wait3A_184 = arith.constant 0 : i32
        %dma_wait3A_185 = tpu.memref_slice %arg10[%dma_wait3A_183, %dma_wait3A_184] : memref<10240x64xf32, #tpu.memory_space<vmem_shared>> -> memref<10240x64xf32, #tpu.memory_space<vmem_shared>>
        tpu.wait_indirect_dma semaphore(%run_scoped3A : memref<!tpu.dma_semaphore, #tpu.memory_space<semaphore_mem>>) src(%arg8 : memref<128x64xf32, #tpu.memory_space<vmem>>) dst(%dma_wait3A_185 : memref<10240x64xf32, #tpu.memory_space<vmem_shared>>)
        tpu.yield
      }) : () -> ()
    }
    %scan3A_79 = arith.constant 79 : i32
    %barrier3A_80 = arith.constant 0 : index
    tpu.barrier barrier_id(%barrier3A_80)
    %mul3A_81 = arith.constant 640 : i32
    %mul3A_82 = arith.muli %arg1, %mul3A_81 : i32
    %mul3A_83 = arith.constant 10240 : i32
    %mul3A_84 = arith.muli %add3A_49, %mul3A_83 : i32
    %mul3A_85 = arith.constant 640 : i32
    %mul3A_86 = arith.muli %arg1, %mul3A_85 : i32
    %add3A_87 = arith.addi %mul3A_84, %mul3A_86 : i32
    "tpu.region"() ({
      %run_scoped3A = tpu.sem_alloc : memref<!tpu.dma_semaphore, #tpu.memory_space<semaphore_mem>>
      %dma_start3A = arith.constant 0 : i32
      %dma_start3A_175 = tpu.memref_slice %arg5[%add3A_87, %dma_start3A] : memref<81920x64xf32, #tpu.memory_space<hbm>> -> memref<640x64xf32, #tpu.memory_space<hbm>>
      %dma_start3A_176 = arith.constant 0 : i32
      %dma_start3A_177 = tpu.memref_slice %arg10[%mul3A_82, %dma_start3A_176] : memref<10240x64xf32, #tpu.memory_space<vmem_shared>> -> memref<640x64xf32, #tpu.memory_space<vmem_shared>>
      tpu.enqueue_dma source(%dma_start3A_177 : memref<640x64xf32, #tpu.memory_space<vmem_shared>>) target(%dma_start3A_175 : memref<640x64xf32, #tpu.memory_space<hbm>>) target_semaphore(%run_scoped3A : memref<!tpu.dma_semaphore, #tpu.memory_space<semaphore_mem>>)
      %dma_wait3A = arith.constant 0 : i32
      %dma_wait3A_178 = tpu.memref_slice %arg5[%add3A_87, %dma_wait3A] : memref<81920x64xf32, #tpu.memory_space<hbm>> -> memref<640x64xf32, #tpu.memory_space<hbm>>
      %dma_wait3A_179 = arith.constant 0 : i32
      %dma_wait3A_180 = tpu.memref_slice %arg10[%mul3A_82, %dma_wait3A_179] : memref<10240x64xf32, #tpu.memory_space<vmem_shared>> -> memref<640x64xf32, #tpu.memory_space<vmem_shared>>
      tpu.wait_dma2 semaphore(%run_scoped3A : memref<!tpu.dma_semaphore, #tpu.memory_space<semaphore_mem>>) src(%dma_wait3A_180 : memref<640x64xf32, #tpu.memory_space<vmem_shared>>) dst(%dma_wait3A_178 : memref<640x64xf32, #tpu.memory_space<hbm>>)
      tpu.yield
    }) : () -> ()
    %barrier3A_88 = arith.constant 0 : index
    tpu.barrier barrier_id(%barrier3A_88)
    %mul3A_89 = arith.constant 4 : i32
    %mul3A_90 = arith.muli %arg0, %mul3A_89 : i32
    %add3A_91 = arith.constant 2 : i32
    %add3A_92 = arith.addi %mul3A_90, %add3A_91 : i32
    %mul3A_93 = arith.constant 640 : i32
    %mul3A_94 = arith.muli %arg1, %mul3A_93 : i32
    %add3A_95 = arith.constant 0 : i32
    %add3A_96 = arith.addi %mul3A_94, %add3A_95 : i32
    "tpu.region"() ({
      %run_scoped3A = tpu.sem_alloc : memref<!tpu.dma_semaphore, #tpu.memory_space<semaphore_mem>>
      %dma_start3A = arith.constant 0 : i32
      %dma_start3A_175 = tpu.memref_slice %arg10[%add3A_96, %dma_start3A] : memref<10240x64xf32, #tpu.memory_space<vmem_shared>> -> memref<128x64xf32, #tpu.memory_space<vmem_shared>>
      %dma_start3A_176 = arith.constant 0 : i32
      %dma_start3A_177 = tpu.memref_slice %arg10[%add3A_96, %dma_start3A_176] : memref<10240x64xf32, #tpu.memory_space<vmem_shared>> -> memref<128x64xf32, #tpu.memory_space<vmem_shared>>
      tpu.enqueue_dma source(%arg9 : memref<128x64xf32, #tpu.memory_space<vmem>>) target(%dma_start3A_177 : memref<128x64xf32, #tpu.memory_space<vmem_shared>>) target_semaphore(%run_scoped3A : memref<!tpu.dma_semaphore, #tpu.memory_space<semaphore_mem>>)
      %dma_wait3A = arith.constant 0 : i32
      %dma_wait3A_178 = tpu.memref_slice %arg10[%add3A_96, %dma_wait3A] : memref<10240x64xf32, #tpu.memory_space<vmem_shared>> -> memref<128x64xf32, #tpu.memory_space<vmem_shared>>
      %dma_wait3A_179 = arith.constant 0 : i32
      %dma_wait3A_180 = tpu.memref_slice %arg10[%add3A_96, %dma_wait3A_179] : memref<10240x64xf32, #tpu.memory_space<vmem_shared>> -> memref<128x64xf32, #tpu.memory_space<vmem_shared>>
      tpu.wait_dma2 semaphore(%run_scoped3A : memref<!tpu.dma_semaphore, #tpu.memory_space<semaphore_mem>>) src(%arg9 : memref<128x64xf32, #tpu.memory_space<vmem>>) dst(%dma_wait3A_180 : memref<128x64xf32, #tpu.memory_space<vmem_shared>>)
      tpu.yield
    }) : () -> ()
    %mul3A_97 = arith.constant 640 : i32
    %mul3A_98 = arith.muli %arg1, %mul3A_97 : i32
    %add3A_99 = arith.constant 128 : i32
    %add3A_100 = arith.addi %mul3A_98, %add3A_99 : i32
    "tpu.region"() ({
      %run_scoped3A = tpu.sem_alloc : memref<!tpu.dma_semaphore, #tpu.memory_space<semaphore_mem>>
      %dma_start3A = arith.constant 0 : i32
      %dma_start3A_175 = tpu.memref_slice %arg10[%add3A_100, %dma_start3A] : memref<10240x64xf32, #tpu.memory_space<vmem_shared>> -> memref<128x64xf32, #tpu.memory_space<vmem_shared>>
      %dma_start3A_176 = arith.constant 0 : i32
      %dma_start3A_177 = tpu.memref_slice %arg10[%add3A_100, %dma_start3A_176] : memref<10240x64xf32, #tpu.memory_space<vmem_shared>> -> memref<128x64xf32, #tpu.memory_space<vmem_shared>>
      tpu.enqueue_dma source(%arg9 : memref<128x64xf32, #tpu.memory_space<vmem>>) target(%dma_start3A_177 : memref<128x64xf32, #tpu.memory_space<vmem_shared>>) target_semaphore(%run_scoped3A : memref<!tpu.dma_semaphore, #tpu.memory_space<semaphore_mem>>)
      %dma_wait3A = arith.constant 0 : i32
      %dma_wait3A_178 = tpu.memref_slice %arg10[%add3A_100, %dma_wait3A] : memref<10240x64xf32, #tpu.memory_space<vmem_shared>> -> memref<128x64xf32, #tpu.memory_space<vmem_shared>>
      %dma_wait3A_179 = arith.constant 0 : i32
      %dma_wait3A_180 = tpu.memref_slice %arg10[%add3A_100, %dma_wait3A_179] : memref<10240x64xf32, #tpu.memory_space<vmem_shared>> -> memref<128x64xf32, #tpu.memory_space<vmem_shared>>
      tpu.wait_dma2 semaphore(%run_scoped3A : memref<!tpu.dma_semaphore, #tpu.memory_space<semaphore_mem>>) src(%arg9 : memref<128x64xf32, #tpu.memory_space<vmem>>) dst(%dma_wait3A_180 : memref<128x64xf32, #tpu.memory_space<vmem_shared>>)
      tpu.yield
    }) : () -> ()
    %mul3A_101 = arith.constant 640 : i32
    %mul3A_102 = arith.muli %arg1, %mul3A_101 : i32
    %add3A_103 = arith.constant 256 : i32
    %add3A_104 = arith.addi %mul3A_102, %add3A_103 : i32
    "tpu.region"() ({
      %run_scoped3A = tpu.sem_alloc : memref<!tpu.dma_semaphore, #tpu.memory_space<semaphore_mem>>
      %dma_start3A = arith.constant 0 : i32
      %dma_start3A_175 = tpu.memref_slice %arg10[%add3A_104, %dma_start3A] : memref<10240x64xf32, #tpu.memory_space<vmem_shared>> -> memref<128x64xf32, #tpu.memory_space<vmem_shared>>
      %dma_start3A_176 = arith.constant 0 : i32
      %dma_start3A_177 = tpu.memref_slice %arg10[%add3A_104, %dma_start3A_176] : memref<10240x64xf32, #tpu.memory_space<vmem_shared>> -> memref<128x64xf32, #tpu.memory_space<vmem_shared>>
      tpu.enqueue_dma source(%arg9 : memref<128x64xf32, #tpu.memory_space<vmem>>) target(%dma_start3A_177 : memref<128x64xf32, #tpu.memory_space<vmem_shared>>) target_semaphore(%run_scoped3A : memref<!tpu.dma_semaphore, #tpu.memory_space<semaphore_mem>>)
      %dma_wait3A = arith.constant 0 : i32
      %dma_wait3A_178 = tpu.memref_slice %arg10[%add3A_104, %dma_wait3A] : memref<10240x64xf32, #tpu.memory_space<vmem_shared>> -> memref<128x64xf32, #tpu.memory_space<vmem_shared>>
      %dma_wait3A_179 = arith.constant 0 : i32
      %dma_wait3A_180 = tpu.memref_slice %arg10[%add3A_104, %dma_wait3A_179] : memref<10240x64xf32, #tpu.memory_space<vmem_shared>> -> memref<128x64xf32, #tpu.memory_space<vmem_shared>>
      tpu.wait_dma2 semaphore(%run_scoped3A : memref<!tpu.dma_semaphore, #tpu.memory_space<semaphore_mem>>) src(%arg9 : memref<128x64xf32, #tpu.memory_space<vmem>>) dst(%dma_wait3A_180 : memref<128x64xf32, #tpu.memory_space<vmem_shared>>)
      tpu.yield
    }) : () -> ()
    %mul3A_105 = arith.constant 640 : i32
    %mul3A_106 = arith.muli %arg1, %mul3A_105 : i32
    %add3A_107 = arith.constant 384 : i32
    %add3A_108 = arith.addi %mul3A_106, %add3A_107 : i32
    "tpu.region"() ({
      %run_scoped3A = tpu.sem_alloc : memref<!tpu.dma_semaphore, #tpu.memory_space<semaphore_mem>>
      %dma_start3A = arith.constant 0 : i32
      %dma_start3A_175 = tpu.memref_slice %arg10[%add3A_108, %dma_start3A] : memref<10240x64xf32, #tpu.memory_space<vmem_shared>> -> memref<128x64xf32, #tpu.memory_space<vmem_shared>>
      %dma_start3A_176 = arith.constant 0 : i32
      %dma_start3A_177 = tpu.memref_slice %arg10[%add3A_108, %dma_start3A_176] : memref<10240x64xf32, #tpu.memory_space<vmem_shared>> -> memref<128x64xf32, #tpu.memory_space<vmem_shared>>
      tpu.enqueue_dma source(%arg9 : memref<128x64xf32, #tpu.memory_space<vmem>>) target(%dma_start3A_177 : memref<128x64xf32, #tpu.memory_space<vmem_shared>>) target_semaphore(%run_scoped3A : memref<!tpu.dma_semaphore, #tpu.memory_space<semaphore_mem>>)
      %dma_wait3A = arith.constant 0 : i32
      %dma_wait3A_178 = tpu.memref_slice %arg10[%add3A_108, %dma_wait3A] : memref<10240x64xf32, #tpu.memory_space<vmem_shared>> -> memref<128x64xf32, #tpu.memory_space<vmem_shared>>
      %dma_wait3A_179 = arith.constant 0 : i32
      %dma_wait3A_180 = tpu.memref_slice %arg10[%add3A_108, %dma_wait3A_179] : memref<10240x64xf32, #tpu.memory_space<vmem_shared>> -> memref<128x64xf32, #tpu.memory_space<vmem_shared>>
      tpu.wait_dma2 semaphore(%run_scoped3A : memref<!tpu.dma_semaphore, #tpu.memory_space<semaphore_mem>>) src(%arg9 : memref<128x64xf32, #tpu.memory_space<vmem>>) dst(%dma_wait3A_180 : memref<128x64xf32, #tpu.memory_space<vmem_shared>>)
      tpu.yield
    }) : () -> ()
    %mul3A_109 = arith.constant 640 : i32
    %mul3A_110 = arith.muli %arg1, %mul3A_109 : i32
    %add3A_111 = arith.constant 512 : i32
    %add3A_112 = arith.addi %mul3A_110, %add3A_111 : i32
    "tpu.region"() ({
      %run_scoped3A = tpu.sem_alloc : memref<!tpu.dma_semaphore, #tpu.memory_space<semaphore_mem>>
      %dma_start3A = arith.constant 0 : i32
      %dma_start3A_175 = tpu.memref_slice %arg10[%add3A_112, %dma_start3A] : memref<10240x64xf32, #tpu.memory_space<vmem_shared>> -> memref<128x64xf32, #tpu.memory_space<vmem_shared>>
      %dma_start3A_176 = arith.constant 0 : i32
      %dma_start3A_177 = tpu.memref_slice %arg10[%add3A_112, %dma_start3A_176] : memref<10240x64xf32, #tpu.memory_space<vmem_shared>> -> memref<128x64xf32, #tpu.memory_space<vmem_shared>>
      tpu.enqueue_dma source(%arg9 : memref<128x64xf32, #tpu.memory_space<vmem>>) target(%dma_start3A_177 : memref<128x64xf32, #tpu.memory_space<vmem_shared>>) target_semaphore(%run_scoped3A : memref<!tpu.dma_semaphore, #tpu.memory_space<semaphore_mem>>)
      %dma_wait3A = arith.constant 0 : i32
      %dma_wait3A_178 = tpu.memref_slice %arg10[%add3A_112, %dma_wait3A] : memref<10240x64xf32, #tpu.memory_space<vmem_shared>> -> memref<128x64xf32, #tpu.memory_space<vmem_shared>>
      %dma_wait3A_179 = arith.constant 0 : i32
      %dma_wait3A_180 = tpu.memref_slice %arg10[%add3A_112, %dma_wait3A_179] : memref<10240x64xf32, #tpu.memory_space<vmem_shared>> -> memref<128x64xf32, #tpu.memory_space<vmem_shared>>
      tpu.wait_dma2 semaphore(%run_scoped3A : memref<!tpu.dma_semaphore, #tpu.memory_space<semaphore_mem>>) src(%arg9 : memref<128x64xf32, #tpu.memory_space<vmem>>) dst(%dma_wait3A_180 : memref<128x64xf32, #tpu.memory_space<vmem_shared>>)
      tpu.yield
    }) : () -> ()
    %mul3A_113 = arith.constant 16 : i32
    %mul3A_114 = arith.muli %add3A_92, %mul3A_113 : i32
    %add3A_115 = arith.addi %mul3A_114, %arg1 : i32
    "tpu.region"() ({
      %run_scoped3A = tpu.sem_alloc : memref<!tpu.dma_semaphore, #tpu.memory_space<semaphore_mem>>
      %dma_start3A = arith.constant 0 : i32
      %dma_start3A_175 = arith.constant 0 : i32
      %dma_start3A_176 = tpu.memref_slice %arg3[%add3A_115, %dma_start3A, %dma_start3A_175] : memref<128x79x128xi32, #tpu.memory_space<hbm>> -> memref<1x79x128xi32, #tpu.memory_space<hbm>>
      %dma_start3A_177 = tpu.memref_squeeze %dma_start3A_176 : memref<1x79x128xi32, #tpu.memory_space<hbm>> -> memref<79x128xi32, #tpu.memory_space<hbm>>
      %dma_start3A_178 = arith.constant 0 : i32
      %dma_start3A_179 = arith.constant 0 : i32
      %dma_start3A_180 = tpu.memref_slice %arg3[%add3A_115, %dma_start3A_178, %dma_start3A_179] : memref<128x79x128xi32, #tpu.memory_space<hbm>> -> memref<1x79x128xi32, #tpu.memory_space<hbm>>
      %dma_start3A_181 = tpu.memref_squeeze %dma_start3A_180 : memref<1x79x128xi32, #tpu.memory_space<hbm>> -> memref<79x128xi32, #tpu.memory_space<hbm>>
      tpu.enqueue_dma source(%dma_start3A_181 : memref<79x128xi32, #tpu.memory_space<hbm>>) target(%arg6 : memref<79x128xi32, #tpu.memory_space<vmem>>) target_semaphore(%run_scoped3A : memref<!tpu.dma_semaphore, #tpu.memory_space<semaphore_mem>>)
      %dma_wait3A = arith.constant 0 : i32
      %dma_wait3A_182 = arith.constant 0 : i32
      %dma_wait3A_183 = tpu.memref_slice %arg3[%add3A_115, %dma_wait3A, %dma_wait3A_182] : memref<128x79x128xi32, #tpu.memory_space<hbm>> -> memref<1x79x128xi32, #tpu.memory_space<hbm>>
      %dma_wait3A_184 = tpu.memref_squeeze %dma_wait3A_183 : memref<1x79x128xi32, #tpu.memory_space<hbm>> -> memref<79x128xi32, #tpu.memory_space<hbm>>
      %dma_wait3A_185 = arith.constant 0 : i32
      %dma_wait3A_186 = arith.constant 0 : i32
      %dma_wait3A_187 = tpu.memref_slice %arg3[%add3A_115, %dma_wait3A_185, %dma_wait3A_186] : memref<128x79x128xi32, #tpu.memory_space<hbm>> -> memref<1x79x128xi32, #tpu.memory_space<hbm>>
      %dma_wait3A_188 = tpu.memref_squeeze %dma_wait3A_187 : memref<1x79x128xi32, #tpu.memory_space<hbm>> -> memref<79x128xi32, #tpu.memory_space<hbm>>
      tpu.wait_dma2 semaphore(%run_scoped3A : memref<!tpu.dma_semaphore, #tpu.memory_space<semaphore_mem>>) src(%dma_wait3A_188 : memref<79x128xi32, #tpu.memory_space<hbm>>) dst(%arg6 : memref<79x128xi32, #tpu.memory_space<vmem>>)
      tpu.yield
    }) : () -> ()
    %barrier3A_116 = arith.constant 0 : index
    tpu.barrier barrier_id(%barrier3A_116)
    %scan3A_117 = arith.constant 0 : i32
    %scan3A_118 = arith.constant 0 : i32
    %scan3A_119 = arith.constant 79 : i32
    %scan3A_120 = arith.addi %scan3A_118, %scan3A_119 : i32
    %scan3A_121 = arith.constant 1 : i32
    scf.for %scan3A_175 = %scan3A_118 to %scan3A_120 step %scan3A_121  : i32 {
      "tpu.region"() ({
        %run_scoped3A = tpu.sem_alloc : memref<!tpu.dma_semaphore, #tpu.memory_space<semaphore_mem>>
        %dma_start3A = arith.constant 0 : i32
        %dma_start3A_176 = tpu.memref_slice %arg6[%scan3A_175, %dma_start3A] : memref<79x128xi32, #tpu.memory_space<vmem>> -> memref<1x128xi32, #tpu.memory_space<vmem>>
        %dma_start3A_177 = tpu.memref_squeeze %dma_start3A_176 : memref<1x128xi32, #tpu.memory_space<vmem>> -> memref<128xi32, #tpu.memory_space<vmem>>
        %dma_start3A_178 = arith.constant 0 : i32
        %dma_start3A_179 = arith.constant 0 : i32
        %dma_start3A_180 = tpu.memref_slice %arg2[%dma_start3A_178, %dma_start3A_179] : memref<81920x64xf32, #tpu.memory_space<hbm>> -> memref<81920x64xf32, #tpu.memory_space<hbm>>
        tpu.enqueue_indirect_dma source(%dma_start3A_180 : memref<81920x64xf32, #tpu.memory_space<hbm>>) target(%arg8 : memref<128x64xf32, #tpu.memory_space<vmem>>) offsets(%dma_start3A_177 : memref<128xi32, #tpu.memory_space<vmem>>) semaphore(%run_scoped3A : memref<!tpu.dma_semaphore, #tpu.memory_space<semaphore_mem>>)
        %dma_wait3A = arith.constant 0 : i32
        %dma_wait3A_181 = tpu.memref_slice %arg6[%scan3A_175, %dma_wait3A] : memref<79x128xi32, #tpu.memory_space<vmem>> -> memref<1x128xi32, #tpu.memory_space<vmem>>
        %dma_wait3A_182 = tpu.memref_squeeze %dma_wait3A_181 : memref<1x128xi32, #tpu.memory_space<vmem>> -> memref<128xi32, #tpu.memory_space<vmem>>
        %dma_wait3A_183 = arith.constant 0 : i32
        %dma_wait3A_184 = arith.constant 0 : i32
        %dma_wait3A_185 = tpu.memref_slice %arg2[%dma_wait3A_183, %dma_wait3A_184] : memref<81920x64xf32, #tpu.memory_space<hbm>> -> memref<81920x64xf32, #tpu.memory_space<hbm>>
        tpu.wait_indirect_dma semaphore(%run_scoped3A : memref<!tpu.dma_semaphore, #tpu.memory_space<semaphore_mem>>) src(%dma_wait3A_185 : memref<81920x64xf32, #tpu.memory_space<hbm>>) dst(%arg8 : memref<128x64xf32, #tpu.memory_space<vmem>>)
        tpu.yield
      }) : () -> ()
      "tpu.region"() ({
        %run_scoped3A = tpu.sem_alloc : memref<!tpu.dma_semaphore, #tpu.memory_space<semaphore_mem>>
        %dma_start3A = arith.constant 0 : i32
        %dma_start3A_176 = tpu.memref_slice %arg7[%scan3A_175, %dma_start3A] : memref<79x128xi32, #tpu.memory_space<vmem>> -> memref<1x128xi32, #tpu.memory_space<vmem>>
        %dma_start3A_177 = tpu.memref_squeeze %dma_start3A_176 : memref<1x128xi32, #tpu.memory_space<vmem>> -> memref<128xi32, #tpu.memory_space<vmem>>
        %dma_start3A_178 = arith.constant 0 : i32
        %dma_start3A_179 = arith.constant 0 : i32
        %dma_start3A_180 = tpu.memref_slice %arg10[%dma_start3A_178, %dma_start3A_179] : memref<10240x64xf32, #tpu.memory_space<vmem_shared>> -> memref<10240x64xf32, #tpu.memory_space<vmem_shared>>
        tpu.enqueue_indirect_dma source(%arg8 : memref<128x64xf32, #tpu.memory_space<vmem>>) target(%dma_start3A_180 : memref<10240x64xf32, #tpu.memory_space<vmem_shared>>) offsets(%dma_start3A_177 : memref<128xi32, #tpu.memory_space<vmem>>) semaphore(%run_scoped3A : memref<!tpu.dma_semaphore, #tpu.memory_space<semaphore_mem>>) {add = true}
        %dma_wait3A = arith.constant 0 : i32
        %dma_wait3A_181 = tpu.memref_slice %arg7[%scan3A_175, %dma_wait3A] : memref<79x128xi32, #tpu.memory_space<vmem>> -> memref<1x128xi32, #tpu.memory_space<vmem>>
        %dma_wait3A_182 = tpu.memref_squeeze %dma_wait3A_181 : memref<1x128xi32, #tpu.memory_space<vmem>> -> memref<128xi32, #tpu.memory_space<vmem>>
        %dma_wait3A_183 = arith.constant 0 : i32
        %dma_wait3A_184 = arith.constant 0 : i32
        %dma_wait3A_185 = tpu.memref_slice %arg10[%dma_wait3A_183, %dma_wait3A_184] : memref<10240x64xf32, #tpu.memory_space<vmem_shared>> -> memref<10240x64xf32, #tpu.memory_space<vmem_shared>>
        tpu.wait_indirect_dma semaphore(%run_scoped3A : memref<!tpu.dma_semaphore, #tpu.memory_space<semaphore_mem>>) src(%arg8 : memref<128x64xf32, #tpu.memory_space<vmem>>) dst(%dma_wait3A_185 : memref<10240x64xf32, #tpu.memory_space<vmem_shared>>)
        tpu.yield
      }) : () -> ()
    }
    %scan3A_122 = arith.constant 79 : i32
    %barrier3A_123 = arith.constant 0 : index
    tpu.barrier barrier_id(%barrier3A_123)
    %mul3A_124 = arith.constant 640 : i32
    %mul3A_125 = arith.muli %arg1, %mul3A_124 : i32
    %mul3A_126 = arith.constant 10240 : i32
    %mul3A_127 = arith.muli %add3A_92, %mul3A_126 : i32
    %mul3A_128 = arith.constant 640 : i32
    %mul3A_129 = arith.muli %arg1, %mul3A_128 : i32
    %add3A_130 = arith.addi %mul3A_127, %mul3A_129 : i32
    "tpu.region"() ({
      %run_scoped3A = tpu.sem_alloc : memref<!tpu.dma_semaphore, #tpu.memory_space<semaphore_mem>>
      %dma_start3A = arith.constant 0 : i32
      %dma_start3A_175 = tpu.memref_slice %arg5[%add3A_130, %dma_start3A] : memref<81920x64xf32, #tpu.memory_space<hbm>> -> memref<640x64xf32, #tpu.memory_space<hbm>>
      %dma_start3A_176 = arith.constant 0 : i32
      %dma_start3A_177 = tpu.memref_slice %arg10[%mul3A_125, %dma_start3A_176] : memref<10240x64xf32, #tpu.memory_space<vmem_shared>> -> memref<640x64xf32, #tpu.memory_space<vmem_shared>>
      tpu.enqueue_dma source(%dma_start3A_177 : memref<640x64xf32, #tpu.memory_space<vmem_shared>>) target(%dma_start3A_175 : memref<640x64xf32, #tpu.memory_space<hbm>>) target_semaphore(%run_scoped3A : memref<!tpu.dma_semaphore, #tpu.memory_space<semaphore_mem>>)
      %dma_wait3A = arith.constant 0 : i32
      %dma_wait3A_178 = tpu.memref_slice %arg5[%add3A_130, %dma_wait3A] : memref<81920x64xf32, #tpu.memory_space<hbm>> -> memref<640x64xf32, #tpu.memory_space<hbm>>
      %dma_wait3A_179 = arith.constant 0 : i32
      %dma_wait3A_180 = tpu.memref_slice %arg10[%mul3A_125, %dma_wait3A_179] : memref<10240x64xf32, #tpu.memory_space<vmem_shared>> -> memref<640x64xf32, #tpu.memory_space<vmem_shared>>
      tpu.wait_dma2 semaphore(%run_scoped3A : memref<!tpu.dma_semaphore, #tpu.memory_space<semaphore_mem>>) src(%dma_wait3A_180 : memref<640x64xf32, #tpu.memory_space<vmem_shared>>) dst(%dma_wait3A_178 : memref<640x64xf32, #tpu.memory_space<hbm>>)
      tpu.yield
    }) : () -> ()
    %barrier3A_131 = arith.constant 0 : index
    tpu.barrier barrier_id(%barrier3A_131)
    %mul3A_132 = arith.constant 4 : i32
    %mul3A_133 = arith.muli %arg0, %mul3A_132 : i32
    %add3A_134 = arith.constant 3 : i32
    %add3A_135 = arith.addi %mul3A_133, %add3A_134 : i32
    %mul3A_136 = arith.constant 640 : i32
    %mul3A_137 = arith.muli %arg1, %mul3A_136 : i32
    %add3A_138 = arith.constant 0 : i32
    %add3A_139 = arith.addi %mul3A_137, %add3A_138 : i32
    "tpu.region"() ({
      %run_scoped3A = tpu.sem_alloc : memref<!tpu.dma_semaphore, #tpu.memory_space<semaphore_mem>>
      %dma_start3A = arith.constant 0 : i32
      %dma_start3A_175 = tpu.memref_slice %arg10[%add3A_139, %dma_start3A] : memref<10240x64xf32, #tpu.memory_space<vmem_shared>> -> memref<128x64xf32, #tpu.memory_space<vmem_shared>>
      %dma_start3A_176 = arith.constant 0 : i32
      %dma_start3A_177 = tpu.memref_slice %arg10[%add3A_139, %dma_start3A_176] : memref<10240x64xf32, #tpu.memory_space<vmem_shared>> -> memref<128x64xf32, #tpu.memory_space<vmem_shared>>
      tpu.enqueue_dma source(%arg9 : memref<128x64xf32, #tpu.memory_space<vmem>>) target(%dma_start3A_177 : memref<128x64xf32, #tpu.memory_space<vmem_shared>>) target_semaphore(%run_scoped3A : memref<!tpu.dma_semaphore, #tpu.memory_space<semaphore_mem>>)
      %dma_wait3A = arith.constant 0 : i32
      %dma_wait3A_178 = tpu.memref_slice %arg10[%add3A_139, %dma_wait3A] : memref<10240x64xf32, #tpu.memory_space<vmem_shared>> -> memref<128x64xf32, #tpu.memory_space<vmem_shared>>
      %dma_wait3A_179 = arith.constant 0 : i32
      %dma_wait3A_180 = tpu.memref_slice %arg10[%add3A_139, %dma_wait3A_179] : memref<10240x64xf32, #tpu.memory_space<vmem_shared>> -> memref<128x64xf32, #tpu.memory_space<vmem_shared>>
      tpu.wait_dma2 semaphore(%run_scoped3A : memref<!tpu.dma_semaphore, #tpu.memory_space<semaphore_mem>>) src(%arg9 : memref<128x64xf32, #tpu.memory_space<vmem>>) dst(%dma_wait3A_180 : memref<128x64xf32, #tpu.memory_space<vmem_shared>>)
      tpu.yield
    }) : () -> ()
    %mul3A_140 = arith.constant 640 : i32
    %mul3A_141 = arith.muli %arg1, %mul3A_140 : i32
    %add3A_142 = arith.constant 128 : i32
    %add3A_143 = arith.addi %mul3A_141, %add3A_142 : i32
    "tpu.region"() ({
      %run_scoped3A = tpu.sem_alloc : memref<!tpu.dma_semaphore, #tpu.memory_space<semaphore_mem>>
      %dma_start3A = arith.constant 0 : i32
      %dma_start3A_175 = tpu.memref_slice %arg10[%add3A_143, %dma_start3A] : memref<10240x64xf32, #tpu.memory_space<vmem_shared>> -> memref<128x64xf32, #tpu.memory_space<vmem_shared>>
      %dma_start3A_176 = arith.constant 0 : i32
      %dma_start3A_177 = tpu.memref_slice %arg10[%add3A_143, %dma_start3A_176] : memref<10240x64xf32, #tpu.memory_space<vmem_shared>> -> memref<128x64xf32, #tpu.memory_space<vmem_shared>>
      tpu.enqueue_dma source(%arg9 : memref<128x64xf32, #tpu.memory_space<vmem>>) target(%dma_start3A_177 : memref<128x64xf32, #tpu.memory_space<vmem_shared>>) target_semaphore(%run_scoped3A : memref<!tpu.dma_semaphore, #tpu.memory_space<semaphore_mem>>)
      %dma_wait3A = arith.constant 0 : i32
      %dma_wait3A_178 = tpu.memref_slice %arg10[%add3A_143, %dma_wait3A] : memref<10240x64xf32, #tpu.memory_space<vmem_shared>> -> memref<128x64xf32, #tpu.memory_space<vmem_shared>>
      %dma_wait3A_179 = arith.constant 0 : i32
      %dma_wait3A_180 = tpu.memref_slice %arg10[%add3A_143, %dma_wait3A_179] : memref<10240x64xf32, #tpu.memory_space<vmem_shared>> -> memref<128x64xf32, #tpu.memory_space<vmem_shared>>
      tpu.wait_dma2 semaphore(%run_scoped3A : memref<!tpu.dma_semaphore, #tpu.memory_space<semaphore_mem>>) src(%arg9 : memref<128x64xf32, #tpu.memory_space<vmem>>) dst(%dma_wait3A_180 : memref<128x64xf32, #tpu.memory_space<vmem_shared>>)
      tpu.yield
    }) : () -> ()
    %mul3A_144 = arith.constant 640 : i32
    %mul3A_145 = arith.muli %arg1, %mul3A_144 : i32
    %add3A_146 = arith.constant 256 : i32
    %add3A_147 = arith.addi %mul3A_145, %add3A_146 : i32
    "tpu.region"() ({
      %run_scoped3A = tpu.sem_alloc : memref<!tpu.dma_semaphore, #tpu.memory_space<semaphore_mem>>
      %dma_start3A = arith.constant 0 : i32
      %dma_start3A_175 = tpu.memref_slice %arg10[%add3A_147, %dma_start3A] : memref<10240x64xf32, #tpu.memory_space<vmem_shared>> -> memref<128x64xf32, #tpu.memory_space<vmem_shared>>
      %dma_start3A_176 = arith.constant 0 : i32
      %dma_start3A_177 = tpu.memref_slice %arg10[%add3A_147, %dma_start3A_176] : memref<10240x64xf32, #tpu.memory_space<vmem_shared>> -> memref<128x64xf32, #tpu.memory_space<vmem_shared>>
      tpu.enqueue_dma source(%arg9 : memref<128x64xf32, #tpu.memory_space<vmem>>) target(%dma_start3A_177 : memref<128x64xf32, #tpu.memory_space<vmem_shared>>) target_semaphore(%run_scoped3A : memref<!tpu.dma_semaphore, #tpu.memory_space<semaphore_mem>>)
      %dma_wait3A = arith.constant 0 : i32
      %dma_wait3A_178 = tpu.memref_slice %arg10[%add3A_147, %dma_wait3A] : memref<10240x64xf32, #tpu.memory_space<vmem_shared>> -> memref<128x64xf32, #tpu.memory_space<vmem_shared>>
      %dma_wait3A_179 = arith.constant 0 : i32
      %dma_wait3A_180 = tpu.memref_slice %arg10[%add3A_147, %dma_wait3A_179] : memref<10240x64xf32, #tpu.memory_space<vmem_shared>> -> memref<128x64xf32, #tpu.memory_space<vmem_shared>>
      tpu.wait_dma2 semaphore(%run_scoped3A : memref<!tpu.dma_semaphore, #tpu.memory_space<semaphore_mem>>) src(%arg9 : memref<128x64xf32, #tpu.memory_space<vmem>>) dst(%dma_wait3A_180 : memref<128x64xf32, #tpu.memory_space<vmem_shared>>)
      tpu.yield
    }) : () -> ()
    %mul3A_148 = arith.constant 640 : i32
    %mul3A_149 = arith.muli %arg1, %mul3A_148 : i32
    %add3A_150 = arith.constant 384 : i32
    %add3A_151 = arith.addi %mul3A_149, %add3A_150 : i32
    "tpu.region"() ({
      %run_scoped3A = tpu.sem_alloc : memref<!tpu.dma_semaphore, #tpu.memory_space<semaphore_mem>>
      %dma_start3A = arith.constant 0 : i32
      %dma_start3A_175 = tpu.memref_slice %arg10[%add3A_151, %dma_start3A] : memref<10240x64xf32, #tpu.memory_space<vmem_shared>> -> memref<128x64xf32, #tpu.memory_space<vmem_shared>>
      %dma_start3A_176 = arith.constant 0 : i32
      %dma_start3A_177 = tpu.memref_slice %arg10[%add3A_151, %dma_start3A_176] : memref<10240x64xf32, #tpu.memory_space<vmem_shared>> -> memref<128x64xf32, #tpu.memory_space<vmem_shared>>
      tpu.enqueue_dma source(%arg9 : memref<128x64xf32, #tpu.memory_space<vmem>>) target(%dma_start3A_177 : memref<128x64xf32, #tpu.memory_space<vmem_shared>>) target_semaphore(%run_scoped3A : memref<!tpu.dma_semaphore, #tpu.memory_space<semaphore_mem>>)
      %dma_wait3A = arith.constant 0 : i32
      %dma_wait3A_178 = tpu.memref_slice %arg10[%add3A_151, %dma_wait3A] : memref<10240x64xf32, #tpu.memory_space<vmem_shared>> -> memref<128x64xf32, #tpu.memory_space<vmem_shared>>
      %dma_wait3A_179 = arith.constant 0 : i32
      %dma_wait3A_180 = tpu.memref_slice %arg10[%add3A_151, %dma_wait3A_179] : memref<10240x64xf32, #tpu.memory_space<vmem_shared>> -> memref<128x64xf32, #tpu.memory_space<vmem_shared>>
      tpu.wait_dma2 semaphore(%run_scoped3A : memref<!tpu.dma_semaphore, #tpu.memory_space<semaphore_mem>>) src(%arg9 : memref<128x64xf32, #tpu.memory_space<vmem>>) dst(%dma_wait3A_180 : memref<128x64xf32, #tpu.memory_space<vmem_shared>>)
      tpu.yield
    }) : () -> ()
    %mul3A_152 = arith.constant 640 : i32
    %mul3A_153 = arith.muli %arg1, %mul3A_152 : i32
    %add3A_154 = arith.constant 512 : i32
    %add3A_155 = arith.addi %mul3A_153, %add3A_154 : i32
    "tpu.region"() ({
      %run_scoped3A = tpu.sem_alloc : memref<!tpu.dma_semaphore, #tpu.memory_space<semaphore_mem>>
      %dma_start3A = arith.constant 0 : i32
      %dma_start3A_175 = tpu.memref_slice %arg10[%add3A_155, %dma_start3A] : memref<10240x64xf32, #tpu.memory_space<vmem_shared>> -> memref<128x64xf32, #tpu.memory_space<vmem_shared>>
      %dma_start3A_176 = arith.constant 0 : i32
      %dma_start3A_177 = tpu.memref_slice %arg10[%add3A_155, %dma_start3A_176] : memref<10240x64xf32, #tpu.memory_space<vmem_shared>> -> memref<128x64xf32, #tpu.memory_space<vmem_shared>>
      tpu.enqueue_dma source(%arg9 : memref<128x64xf32, #tpu.memory_space<vmem>>) target(%dma_start3A_177 : memref<128x64xf32, #tpu.memory_space<vmem_shared>>) target_semaphore(%run_scoped3A : memref<!tpu.dma_semaphore, #tpu.memory_space<semaphore_mem>>)
      %dma_wait3A = arith.constant 0 : i32
      %dma_wait3A_178 = tpu.memref_slice %arg10[%add3A_155, %dma_wait3A] : memref<10240x64xf32, #tpu.memory_space<vmem_shared>> -> memref<128x64xf32, #tpu.memory_space<vmem_shared>>
      %dma_wait3A_179 = arith.constant 0 : i32
      %dma_wait3A_180 = tpu.memref_slice %arg10[%add3A_155, %dma_wait3A_179] : memref<10240x64xf32, #tpu.memory_space<vmem_shared>> -> memref<128x64xf32, #tpu.memory_space<vmem_shared>>
      tpu.wait_dma2 semaphore(%run_scoped3A : memref<!tpu.dma_semaphore, #tpu.memory_space<semaphore_mem>>) src(%arg9 : memref<128x64xf32, #tpu.memory_space<vmem>>) dst(%dma_wait3A_180 : memref<128x64xf32, #tpu.memory_space<vmem_shared>>)
      tpu.yield
    }) : () -> ()
    %mul3A_156 = arith.constant 16 : i32
    %mul3A_157 = arith.muli %add3A_135, %mul3A_156 : i32
    %add3A_158 = arith.addi %mul3A_157, %arg1 : i32
    "tpu.region"() ({
      %run_scoped3A = tpu.sem_alloc : memref<!tpu.dma_semaphore, #tpu.memory_space<semaphore_mem>>
      %dma_start3A = arith.constant 0 : i32
      %dma_start3A_175 = arith.constant 0 : i32
      %dma_start3A_176 = tpu.memref_slice %arg3[%add3A_158, %dma_start3A, %dma_start3A_175] : memref<128x79x128xi32, #tpu.memory_space<hbm>> -> memref<1x79x128xi32, #tpu.memory_space<hbm>>
      %dma_start3A_177 = tpu.memref_squeeze %dma_start3A_176 : memref<1x79x128xi32, #tpu.memory_space<hbm>> -> memref<79x128xi32, #tpu.memory_space<hbm>>
      %dma_start3A_178 = arith.constant 0 : i32
      %dma_start3A_179 = arith.constant 0 : i32
      %dma_start3A_180 = tpu.memref_slice %arg3[%add3A_158, %dma_start3A_178, %dma_start3A_179] : memref<128x79x128xi32, #tpu.memory_space<hbm>> -> memref<1x79x128xi32, #tpu.memory_space<hbm>>
      %dma_start3A_181 = tpu.memref_squeeze %dma_start3A_180 : memref<1x79x128xi32, #tpu.memory_space<hbm>> -> memref<79x128xi32, #tpu.memory_space<hbm>>
      tpu.enqueue_dma source(%dma_start3A_181 : memref<79x128xi32, #tpu.memory_space<hbm>>) target(%arg6 : memref<79x128xi32, #tpu.memory_space<vmem>>) target_semaphore(%run_scoped3A : memref<!tpu.dma_semaphore, #tpu.memory_space<semaphore_mem>>)
      %dma_wait3A = arith.constant 0 : i32
      %dma_wait3A_182 = arith.constant 0 : i32
      %dma_wait3A_183 = tpu.memref_slice %arg3[%add3A_158, %dma_wait3A, %dma_wait3A_182] : memref<128x79x128xi32, #tpu.memory_space<hbm>> -> memref<1x79x128xi32, #tpu.memory_space<hbm>>
      %dma_wait3A_184 = tpu.memref_squeeze %dma_wait3A_183 : memref<1x79x128xi32, #tpu.memory_space<hbm>> -> memref<79x128xi32, #tpu.memory_space<hbm>>
      %dma_wait3A_185 = arith.constant 0 : i32
      %dma_wait3A_186 = arith.constant 0 : i32
      %dma_wait3A_187 = tpu.memref_slice %arg3[%add3A_158, %dma_wait3A_185, %dma_wait3A_186] : memref<128x79x128xi32, #tpu.memory_space<hbm>> -> memref<1x79x128xi32, #tpu.memory_space<hbm>>
      %dma_wait3A_188 = tpu.memref_squeeze %dma_wait3A_187 : memref<1x79x128xi32, #tpu.memory_space<hbm>> -> memref<79x128xi32, #tpu.memory_space<hbm>>
      tpu.wait_dma2 semaphore(%run_scoped3A : memref<!tpu.dma_semaphore, #tpu.memory_space<semaphore_mem>>) src(%dma_wait3A_188 : memref<79x128xi32, #tpu.memory_space<hbm>>) dst(%arg6 : memref<79x128xi32, #tpu.memory_space<vmem>>)
      tpu.yield
    }) : () -> ()
    %barrier3A_159 = arith.constant 0 : index
    tpu.barrier barrier_id(%barrier3A_159)
    %scan3A_160 = arith.constant 0 : i32
    %scan3A_161 = arith.constant 0 : i32
    %scan3A_162 = arith.constant 79 : i32
    %scan3A_163 = arith.addi %scan3A_161, %scan3A_162 : i32
    %scan3A_164 = arith.constant 1 : i32
    scf.for %scan3A_175 = %scan3A_161 to %scan3A_163 step %scan3A_164  : i32 {
      "tpu.region"() ({
        %run_scoped3A = tpu.sem_alloc : memref<!tpu.dma_semaphore, #tpu.memory_space<semaphore_mem>>
        %dma_start3A = arith.constant 0 : i32
        %dma_start3A_176 = tpu.memref_slice %arg6[%scan3A_175, %dma_start3A] : memref<79x128xi32, #tpu.memory_space<vmem>> -> memref<1x128xi32, #tpu.memory_space<vmem>>
        %dma_start3A_177 = tpu.memref_squeeze %dma_start3A_176 : memref<1x128xi32, #tpu.memory_space<vmem>> -> memref<128xi32, #tpu.memory_space<vmem>>
        %dma_start3A_178 = arith.constant 0 : i32
        %dma_start3A_179 = arith.constant 0 : i32
        %dma_start3A_180 = tpu.memref_slice %arg2[%dma_start3A_178, %dma_start3A_179] : memref<81920x64xf32, #tpu.memory_space<hbm>> -> memref<81920x64xf32, #tpu.memory_space<hbm>>
        tpu.enqueue_indirect_dma source(%dma_start3A_180 : memref<81920x64xf32, #tpu.memory_space<hbm>>) target(%arg8 : memref<128x64xf32, #tpu.memory_space<vmem>>) offsets(%dma_start3A_177 : memref<128xi32, #tpu.memory_space<vmem>>) semaphore(%run_scoped3A : memref<!tpu.dma_semaphore, #tpu.memory_space<semaphore_mem>>)
        %dma_wait3A = arith.constant 0 : i32
        %dma_wait3A_181 = tpu.memref_slice %arg6[%scan3A_175, %dma_wait3A] : memref<79x128xi32, #tpu.memory_space<vmem>> -> memref<1x128xi32, #tpu.memory_space<vmem>>
        %dma_wait3A_182 = tpu.memref_squeeze %dma_wait3A_181 : memref<1x128xi32, #tpu.memory_space<vmem>> -> memref<128xi32, #tpu.memory_space<vmem>>
        %dma_wait3A_183 = arith.constant 0 : i32
        %dma_wait3A_184 = arith.constant 0 : i32
        %dma_wait3A_185 = tpu.memref_slice %arg2[%dma_wait3A_183, %dma_wait3A_184] : memref<81920x64xf32, #tpu.memory_space<hbm>> -> memref<81920x64xf32, #tpu.memory_space<hbm>>
        tpu.wait_indirect_dma semaphore(%run_scoped3A : memref<!tpu.dma_semaphore, #tpu.memory_space<semaphore_mem>>) src(%dma_wait3A_185 : memref<81920x64xf32, #tpu.memory_space<hbm>>) dst(%arg8 : memref<128x64xf32, #tpu.memory_space<vmem>>)
        tpu.yield
      }) : () -> ()
      "tpu.region"() ({
        %run_scoped3A = tpu.sem_alloc : memref<!tpu.dma_semaphore, #tpu.memory_space<semaphore_mem>>
        %dma_start3A = arith.constant 0 : i32
        %dma_start3A_176 = tpu.memref_slice %arg7[%scan3A_175, %dma_start3A] : memref<79x128xi32, #tpu.memory_space<vmem>> -> memref<1x128xi32, #tpu.memory_space<vmem>>
        %dma_start3A_177 = tpu.memref_squeeze %dma_start3A_176 : memref<1x128xi32, #tpu.memory_space<vmem>> -> memref<128xi32, #tpu.memory_space<vmem>>
        %dma_start3A_178 = arith.constant 0 : i32
        %dma_start3A_179 = arith.constant 0 : i32
        %dma_start3A_180 = tpu.memref_slice %arg10[%dma_start3A_178, %dma_start3A_179] : memref<10240x64xf32, #tpu.memory_space<vmem_shared>> -> memref<10240x64xf32, #tpu.memory_space<vmem_shared>>
        tpu.enqueue_indirect_dma source(%arg8 : memref<128x64xf32, #tpu.memory_space<vmem>>) target(%dma_start3A_180 : memref<10240x64xf32, #tpu.memory_space<vmem_shared>>) offsets(%dma_start3A_177 : memref<128xi32, #tpu.memory_space<vmem>>) semaphore(%run_scoped3A : memref<!tpu.dma_semaphore, #tpu.memory_space<semaphore_mem>>) {add = true}
        %dma_wait3A = arith.constant 0 : i32
        %dma_wait3A_181 = tpu.memref_slice %arg7[%scan3A_175, %dma_wait3A] : memref<79x128xi32, #tpu.memory_space<vmem>> -> memref<1x128xi32, #tpu.memory_space<vmem>>
        %dma_wait3A_182 = tpu.memref_squeeze %dma_wait3A_181 : memref<1x128xi32, #tpu.memory_space<vmem>> -> memref<128xi32, #tpu.memory_space<vmem>>
        %dma_wait3A_183 = arith.constant 0 : i32
        %dma_wait3A_184 = arith.constant 0 : i32
        %dma_wait3A_185 = tpu.memref_slice %arg10[%dma_wait3A_183, %dma_wait3A_184] : memref<10240x64xf32, #tpu.memory_space<vmem_shared>> -> memref<10240x64xf32, #tpu.memory_space<vmem_shared>>
        tpu.wait_indirect_dma semaphore(%run_scoped3A : memref<!tpu.dma_semaphore, #tpu.memory_space<semaphore_mem>>) src(%arg8 : memref<128x64xf32, #tpu.memory_space<vmem>>) dst(%dma_wait3A_185 : memref<10240x64xf32, #tpu.memory_space<vmem_shared>>)
        tpu.yield
      }) : () -> ()
    }
    %scan3A_165 = arith.constant 79 : i32
    %barrier3A_166 = arith.constant 0 : index
    tpu.barrier barrier_id(%barrier3A_166)
    %mul3A_167 = arith.constant 640 : i32
    %mul3A_168 = arith.muli %arg1, %mul3A_167 : i32
    %mul3A_169 = arith.constant 10240 : i32
    %mul3A_170 = arith.muli %add3A_135, %mul3A_169 : i32
    %mul3A_171 = arith.constant 640 : i32
    %mul3A_172 = arith.muli %arg1, %mul3A_171 : i32
    %add3A_173 = arith.addi %mul3A_170, %mul3A_172 : i32
    "tpu.region"() ({
      %run_scoped3A = tpu.sem_alloc : memref<!tpu.dma_semaphore, #tpu.memory_space<semaphore_mem>>
      %dma_start3A = arith.constant 0 : i32
      %dma_start3A_175 = tpu.memref_slice %arg5[%add3A_173, %dma_start3A] : memref<81920x64xf32, #tpu.memory_space<hbm>> -> memref<640x64xf32, #tpu.memory_space<hbm>>
      %dma_start3A_176 = arith.constant 0 : i32
      %dma_start3A_177 = tpu.memref_slice %arg10[%mul3A_168, %dma_start3A_176] : memref<10240x64xf32, #tpu.memory_space<vmem_shared>> -> memref<640x64xf32, #tpu.memory_space<vmem_shared>>
      tpu.enqueue_dma source(%dma_start3A_177 : memref<640x64xf32, #tpu.memory_space<vmem_shared>>) target(%dma_start3A_175 : memref<640x64xf32, #tpu.memory_space<hbm>>) target_semaphore(%run_scoped3A : memref<!tpu.dma_semaphore, #tpu.memory_space<semaphore_mem>>)
      %dma_wait3A = arith.constant 0 : i32
      %dma_wait3A_178 = tpu.memref_slice %arg5[%add3A_173, %dma_wait3A] : memref<81920x64xf32, #tpu.memory_space<hbm>> -> memref<640x64xf32, #tpu.memory_space<hbm>>
      %dma_wait3A_179 = arith.constant 0 : i32
      %dma_wait3A_180 = tpu.memref_slice %arg10[%mul3A_168, %dma_wait3A_179] : memref<10240x64xf32, #tpu.memory_space<vmem_shared>> -> memref<640x64xf32, #tpu.memory_space<vmem_shared>>
      tpu.wait_dma2 semaphore(%run_scoped3A : memref<!tpu.dma_semaphore, #tpu.memory_space<semaphore_mem>>) src(%dma_wait3A_180 : memref<640x64xf32, #tpu.memory_space<vmem_shared>>) dst(%dma_wait3A_178 : memref<640x64xf32, #tpu.memory_space<hbm>>)
      tpu.yield
    }) : () -> ()
    %barrier3A_174 = arith.constant 0 : index
    tpu.barrier barrier_id(%barrier3A_174)
    return
  }
}

module attributes {stable_mosaic.version = 14 : i64} {
  func.func @_tc_pool_embed(%arg0: i32, %arg1: memref<2x1000x64xf32, #tpu.memory_space<vmem>>, %arg2: memref<128x512xf32, #tpu.memory_space<vmem>>, %arg3: memref<128x128xf32, #tpu.memory_space<vmem>>, %arg4: memref<8x1000x64xf32, #tpu.memory_space<vmem>>, %arg5: memref<512x128xf32, #tpu.memory_space<vmem>>) attributes {dimension_semantics = [#tpu.dimension_semantics<arbitrary>], iteration_bounds = array<i64: 10>, scalar_prefetch = 0 : i64, scratch_operands = 0 : i64, tpu.core_type = #tpu.core_type<tc>, window_params = [{transform_indices = @transform_0, window_bounds = array<i64: 2, 1000, 64>}, {pipeline_mode = #tpu.pipeline_mode<synchronous>, transform_indices = @transform_1, window_bounds = array<i64: 128, 512>}, {pipeline_mode = #tpu.pipeline_mode<synchronous>, transform_indices = @transform_2, window_bounds = array<i64: 128, 128>}, {transform_indices = @transform_3, window_bounds = array<i64: 8, 1000, 64>}, {pipeline_mode = #tpu.pipeline_mode<synchronous>, transform_indices = @transform_4, window_bounds = array<i64: 512, 128>}]} {
    %get3A = arith.constant 0 : index
    %get3A_0 = arith.constant 0 : index
    %get3A_1 = arith.constant 0 : index
    %get3A_2 = vector.load %arg1[%get3A, %get3A_0, %get3A_1] : memref<2x1000x64xf32, #tpu.memory_space<vmem>>, vector<1x1000x64xf32>
    %get3A_3 = vector.shape_cast %get3A_2 : vector<1x1000x64xf32> to vector<1000x64xf32>
    %get3A_4 = arith.constant 1 : index
    %get3A_5 = arith.constant 0 : index
    %get3A_6 = arith.constant 0 : index
    %get3A_7 = vector.load %arg1[%get3A_4, %get3A_5, %get3A_6] : memref<2x1000x64xf32, #tpu.memory_space<vmem>>, vector<1x1000x64xf32>
    %get3A_8 = vector.shape_cast %get3A_7 : vector<1x1000x64xf32> to vector<1000x64xf32>
    %concatenate3A = tpu.concatenate %get3A_3, %get3A_8 in 1 : vector<1000x64xf32>, vector<1000x64xf32> -> vector<1000x128xf32>
    %get3A_9 = arith.constant 0 : index
    %get3A_10 = arith.constant 0 : index
    %get3A_11 = vector.load %arg2[%get3A_9, %get3A_10] : memref<128x512xf32, #tpu.memory_space<vmem>>, vector<128x512xf32>
    %dot_general3A = arith.constant dense<0.000000e+00> : vector<1000x512xf32>
    %dot_general3A_12 = tpu.matmul %concatenate3A, %get3A_11, %dot_general3A {dimension_numbers = #tpu.dot_dimension_numbers<[1], [0], [0], [1], [0, 0, 1, 1], [], []>, transpose_lhs_hint = false} : vector<1000x128xf32>, vector<128x512xf32>, vector<1000x512xf32> -> vector<1000x512xf32>
    %max3A = arith.constant 0.000000e+00 : f32
    %max3A_13 = vector.broadcast %max3A : f32 to vector<1000x512xf32>
    %max3A_14 = arith.maximumf %dot_general3A_12, %max3A_13 : vector<1000x512xf32>
    %iota3A = tpu.iota {dimensions = array<i32: 1>} : vector<1000x512xi32>
    %lt3A = arith.constant 500 : i32
    %lt3A_15 = vector.broadcast %lt3A : i32 to vector<1000x512xi32>
    %lt3A_16 = arith.cmpi slt, %iota3A, %lt3A_15 : vector<1000x512xi32>
    %jit3A = arith.constant -1.000000e+30 : f32
    %broadcast_in_dim3A = vector.broadcast %jit3A : f32 to vector<1000x512xf32>
    %select_n3A = arith.select %lt3A_16, %max3A_14, %broadcast_in_dim3A : vector<1000x512xi1>, vector<1000x512xf32>
    %reduce_max3A = arith.constant dense<0xFF800000> : vector<1000xf32>
    %reduce_max3A_17 = vector.multi_reduction <maximumf>, %select_n3A, %reduce_max3A [1] : vector<1000x512xf32> to vector<1000xf32>
    %broadcast_in_dim3A_18 = vector.shape_cast %reduce_max3A_17 : vector<1000xf32> to vector<1000x1xf32>
    %sub3A = vector.broadcast %broadcast_in_dim3A_18 : vector<1000x1xf32> to vector<1000x512xf32>
    %sub3A_19 = arith.subf %select_n3A, %sub3A : vector<1000x512xf32>
    %exp3A = math.exp %sub3A_19 : vector<1000x512xf32>
    %reduce_sum3A = arith.constant dense<0.000000e+00> : vector<1000xf32>
    %reduce_sum3A_20 = vector.multi_reduction <add>, %exp3A, %reduce_sum3A [1] : vector<1000x512xf32> to vector<1000xf32>
    %broadcast_in_dim3A_21 = vector.shape_cast %reduce_sum3A_20 : vector<1000xf32> to vector<1000x1xf32>
    %div3A = vector.broadcast %broadcast_in_dim3A_21 : vector<1000x1xf32> to vector<1000x512xf32>
    %div3A_22 = arith.divf %exp3A, %div3A : vector<1000x512xf32>
    %get3A_23 = arith.constant 0 : index
    %get3A_24 = arith.constant 0 : index
    %get3A_25 = vector.load %arg3[%get3A_23, %get3A_24] : memref<128x128xf32, #tpu.memory_space<vmem>>, vector<128x128xf32>
    %dot_general3A_26 = arith.constant dense<0.000000e+00> : vector<1000x128xf32>
    %dot_general3A_27 = tpu.matmul %concatenate3A, %get3A_25, %dot_general3A_26 {dimension_numbers = #tpu.dot_dimension_numbers<[1], [0], [0], [1], [0, 0, 1, 1], [], []>, transpose_lhs_hint = false} : vector<1000x128xf32>, vector<128x128xf32>, vector<1000x128xf32> -> vector<1000x128xf32>
    %max3A_28 = arith.constant 0.000000e+00 : f32
    %max3A_29 = vector.broadcast %max3A_28 : f32 to vector<1000x128xf32>
    %max3A_30 = arith.maximumf %dot_general3A_27, %max3A_29 : vector<1000x128xf32>
    %slice3A = vector.extract_strided_slice %div3A_22 {offsets = [0, 0], sizes = [1000, 64], strides = [1, 1]} : vector<1000x512xf32> to vector<1000x64xf32>
    %swap3A = arith.constant 0 : index
    %swap3A_31 = arith.constant 0 : index
    %swap3A_32 = arith.constant 0 : index
    %swap3A_33 = vector.load %arg4[%swap3A, %swap3A_31, %swap3A_32] : memref<8x1000x64xf32, #tpu.memory_space<vmem>>, vector<1x1000x64xf32>
    %swap3A_34 = vector.shape_cast %swap3A_33 : vector<1x1000x64xf32> to vector<1000x64xf32>
    %swap3A_35 = vector.shape_cast %slice3A : vector<1000x64xf32> to vector<1x1000x64xf32>
    tpu.vector_store %arg4[%swap3A, %swap3A_31, %swap3A_32], %swap3A_35 {strides = array<i32>} : memref<8x1000x64xf32, #tpu.memory_space<vmem>>, vector<1x1000x64xf32>,
    %slice3A_36 = vector.extract_strided_slice %div3A_22 {offsets = [0, 64], sizes = [1000, 64], strides = [1, 1]} : vector<1000x512xf32> to vector<1000x64xf32>
    %swap3A_37 = arith.constant 1 : index
    %swap3A_38 = arith.constant 0 : index
    %swap3A_39 = arith.constant 0 : index
    %swap3A_40 = vector.load %arg4[%swap3A_37, %swap3A_38, %swap3A_39] : memref<8x1000x64xf32, #tpu.memory_space<vmem>>, vector<1x1000x64xf32>
    %swap3A_41 = vector.shape_cast %swap3A_40 : vector<1x1000x64xf32> to vector<1000x64xf32>
    %swap3A_42 = vector.shape_cast %slice3A_36 : vector<1000x64xf32> to vector<1x1000x64xf32>
    tpu.vector_store %arg4[%swap3A_37, %swap3A_38, %swap3A_39], %swap3A_42 {strides = array<i32>} : memref<8x1000x64xf32, #tpu.memory_space<vmem>>, vector<1x1000x64xf32>,
    %slice3A_43 = vector.extract_strided_slice %div3A_22 {offsets = [0, 128], sizes = [1000, 64], strides = [1, 1]} : vector<1000x512xf32> to vector<1000x64xf32>
    %swap3A_44 = arith.constant 2 : index
    %swap3A_45 = arith.constant 0 : index
    %swap3A_46 = arith.constant 0 : index
    %swap3A_47 = vector.load %arg4[%swap3A_44, %swap3A_45, %swap3A_46] : memref<8x1000x64xf32, #tpu.memory_space<vmem>>, vector<1x1000x64xf32>
    %swap3A_48 = vector.shape_cast %swap3A_47 : vector<1x1000x64xf32> to vector<1000x64xf32>
    %swap3A_49 = vector.shape_cast %slice3A_43 : vector<1000x64xf32> to vector<1x1000x64xf32>
    tpu.vector_store %arg4[%swap3A_44, %swap3A_45, %swap3A_46], %swap3A_49 {strides = array<i32>} : memref<8x1000x64xf32, #tpu.memory_space<vmem>>, vector<1x1000x64xf32>,
    %slice3A_50 = vector.extract_strided_slice %div3A_22 {offsets = [0, 192], sizes = [1000, 64], strides = [1, 1]} : vector<1000x512xf32> to vector<1000x64xf32>
    %swap3A_51 = arith.constant 3 : index
    %swap3A_52 = arith.constant 0 : index
    %swap3A_53 = arith.constant 0 : index
    %swap3A_54 = vector.load %arg4[%swap3A_51, %swap3A_52, %swap3A_53] : memref<8x1000x64xf32, #tpu.memory_space<vmem>>, vector<1x1000x64xf32>
    %swap3A_55 = vector.shape_cast %swap3A_54 : vector<1x1000x64xf32> to vector<1000x64xf32>
    %swap3A_56 = vector.shape_cast %slice3A_50 : vector<1000x64xf32> to vector<1x1000x64xf32>
    tpu.vector_store %arg4[%swap3A_51, %swap3A_52, %swap3A_53], %swap3A_56 {strides = array<i32>} : memref<8x1000x64xf32, #tpu.memory_space<vmem>>, vector<1x1000x64xf32>,
    %slice3A_57 = vector.extract_strided_slice %div3A_22 {offsets = [0, 256], sizes = [1000, 64], strides = [1, 1]} : vector<1000x512xf32> to vector<1000x64xf32>
    %swap3A_58 = arith.constant 4 : index
    %swap3A_59 = arith.constant 0 : index
    %swap3A_60 = arith.constant 0 : index
    %swap3A_61 = vector.load %arg4[%swap3A_58, %swap3A_59, %swap3A_60] : memref<8x1000x64xf32, #tpu.memory_space<vmem>>, vector<1x1000x64xf32>
    %swap3A_62 = vector.shape_cast %swap3A_61 : vector<1x1000x64xf32> to vector<1000x64xf32>
    %swap3A_63 = vector.shape_cast %slice3A_57 : vector<1000x64xf32> to vector<1x1000x64xf32>
    tpu.vector_store %arg4[%swap3A_58, %swap3A_59, %swap3A_60], %swap3A_63 {strides = array<i32>} : memref<8x1000x64xf32, #tpu.memory_space<vmem>>, vector<1x1000x64xf32>,
    %slice3A_64 = vector.extract_strided_slice %div3A_22 {offsets = [0, 320], sizes = [1000, 64], strides = [1, 1]} : vector<1000x512xf32> to vector<1000x64xf32>
    %swap3A_65 = arith.constant 5 : index
    %swap3A_66 = arith.constant 0 : index
    %swap3A_67 = arith.constant 0 : index
    %swap3A_68 = vector.load %arg4[%swap3A_65, %swap3A_66, %swap3A_67] : memref<8x1000x64xf32, #tpu.memory_space<vmem>>, vector<1x1000x64xf32>
    %swap3A_69 = vector.shape_cast %swap3A_68 : vector<1x1000x64xf32> to vector<1000x64xf32>
    %swap3A_70 = vector.shape_cast %slice3A_64 : vector<1000x64xf32> to vector<1x1000x64xf32>
    tpu.vector_store %arg4[%swap3A_65, %swap3A_66, %swap3A_67], %swap3A_70 {strides = array<i32>} : memref<8x1000x64xf32, #tpu.memory_space<vmem>>, vector<1x1000x64xf32>,
    %slice3A_71 = vector.extract_strided_slice %div3A_22 {offsets = [0, 384], sizes = [1000, 64], strides = [1, 1]} : vector<1000x512xf32> to vector<1000x64xf32>
    %swap3A_72 = arith.constant 6 : index
    %swap3A_73 = arith.constant 0 : index
    %swap3A_74 = arith.constant 0 : index
    %swap3A_75 = vector.load %arg4[%swap3A_72, %swap3A_73, %swap3A_74] : memref<8x1000x64xf32, #tpu.memory_space<vmem>>, vector<1x1000x64xf32>
    %swap3A_76 = vector.shape_cast %swap3A_75 : vector<1x1000x64xf32> to vector<1000x64xf32>
    %swap3A_77 = vector.shape_cast %slice3A_71 : vector<1000x64xf32> to vector<1x1000x64xf32>
    tpu.vector_store %arg4[%swap3A_72, %swap3A_73, %swap3A_74], %swap3A_77 {strides = array<i32>} : memref<8x1000x64xf32, #tpu.memory_space<vmem>>, vector<1x1000x64xf32>,
    %slice3A_78 = vector.extract_strided_slice %div3A_22 {offsets = [0, 448], sizes = [1000, 64], strides = [1, 1]} : vector<1000x512xf32> to vector<1000x64xf32>
    %swap3A_79 = arith.constant 7 : index
    %swap3A_80 = arith.constant 0 : index
    %swap3A_81 = arith.constant 0 : index
    %swap3A_82 = vector.load %arg4[%swap3A_79, %swap3A_80, %swap3A_81] : memref<8x1000x64xf32, #tpu.memory_space<vmem>>, vector<1x1000x64xf32>
    %swap3A_83 = vector.shape_cast %swap3A_82 : vector<1x1000x64xf32> to vector<1000x64xf32>
    %swap3A_84 = vector.shape_cast %slice3A_78 : vector<1000x64xf32> to vector<1x1000x64xf32>
    tpu.vector_store %arg4[%swap3A_79, %swap3A_80, %swap3A_81], %swap3A_84 {strides = array<i32>} : memref<8x1000x64xf32, #tpu.memory_space<vmem>>, vector<1x1000x64xf32>,
    %dot_general3A_85 = arith.constant dense<0.000000e+00> : vector<512x128xf32>
    %dot_general3A_86 = tpu.matmul %div3A_22, %max3A_30, %dot_general3A_85 {dimension_numbers = #tpu.dot_dimension_numbers<[0], [0], [1], [1], [0, 1, 1, 1], [], []>, transpose_lhs_hint = false} : vector<1000x512xf32>, vector<1000x128xf32>, vector<512x128xf32> -> vector<512x128xf32>
    %eq3A = arith.constant 0 : i32
    %eq3A_87 = arith.cmpi eq, %arg0, %eq3A : i32
    %convert_element_type3A = arith.extui %eq3A_87 : i1 to i32
    %cond3A = arith.constant 0 : i32
    %cond3A_88 = arith.cmpi ne, %convert_element_type3A, %cond3A : i32
    scf.if %cond3A_88 {
      %swap3A_93 = arith.constant 0 : index
      %swap3A_94 = arith.constant 0 : index
      %swap3A_95 = vector.load %arg5[%swap3A_93, %swap3A_94] : memref<512x128xf32, #tpu.memory_space<vmem>>, vector<512x128xf32>
      tpu.vector_store %arg5[%swap3A_93, %swap3A_94], %dot_general3A_86 {strides = array<i32>} : memref<512x128xf32, #tpu.memory_space<vmem>>, vector<512x128xf32>,
    } else {
    }
    %gt3A = arith.constant 0 : i32
    %gt3A_89 = arith.cmpi sgt, %arg0, %gt3A : i32
    %convert_element_type3A_90 = arith.extui %gt3A_89 : i1 to i32
    %cond3A_91 = arith.constant 0 : i32
    %cond3A_92 = arith.cmpi ne, %convert_element_type3A_90, %cond3A_91 : i32
    scf.if %cond3A_92 {
      %get3A_93 = arith.constant 0 : index
      %get3A_94 = arith.constant 0 : index
      %get3A_95 = vector.load %arg5[%get3A_93, %get3A_94] : memref<512x128xf32, #tpu.memory_space<vmem>>, vector<512x128xf32>
      %add3A = arith.addf %get3A_95, %dot_general3A_86 : vector<512x128xf32>
      %swap3A_96 = arith.constant 0 : index
      %swap3A_97 = arith.constant 0 : index
      %swap3A_98 = vector.load %arg5[%swap3A_96, %swap3A_97] : memref<512x128xf32, #tpu.memory_space<vmem>>, vector<512x128xf32>
      tpu.vector_store %arg5[%swap3A_96, %swap3A_97], %add3A {strides = array<i32>} : memref<512x128xf32, #tpu.memory_space<vmem>>, vector<512x128xf32>,
    } else {
    }
    return
  }
  func.func @transform_0(%arg0: i32) -> (i32, i32, i32) {
    %c0_i32 = arith.constant 0 : i32
    %c0_i32_0 = arith.constant 0 : i32
    %c0_i32_1 = arith.constant 0 : i32
    return %c0_i32, %arg0, %c0_i32_0 : i32, i32, i32
  }
  func.func @transform_1(%arg0: i32) -> (i32, i32) {
    %c0_i32 = arith.constant 0 : i32
    %c0_i32_0 = arith.constant 0 : i32
    %c0_i32_1 = arith.constant 0 : i32
    return %c0_i32, %c0_i32_0 : i32, i32
  }
  func.func @transform_2(%arg0: i32) -> (i32, i32) {
    %c0_i32 = arith.constant 0 : i32
    %c0_i32_0 = arith.constant 0 : i32
    %c0_i32_1 = arith.constant 0 : i32
    return %c0_i32, %c0_i32_0 : i32, i32
  }
  func.func @transform_3(%arg0: i32) -> (i32, i32, i32) {
    %c0_i32 = arith.constant 0 : i32
    %c0_i32_0 = arith.constant 0 : i32
    %c0_i32_1 = arith.constant 0 : i32
    return %c0_i32, %arg0, %c0_i32_0 : i32, i32, i32
  }
  func.func @transform_4(%arg0: i32) -> (i32, i32) {
    %c0_i32 = arith.constant 0 : i32
    %c0_i32_0 = arith.constant 0 : i32
    %c0_i32_1 = arith.constant 0 : i32
    return %c0_i32, %c0_i32_0 : i32, i32
  }
}

module attributes {stable_mosaic.version = 14 : i64} {
  func.func @_tc_coarse_a(%arg0: i32, %arg1: memref<8x1000x64xf32, #tpu.memory_space<vmem>>, %arg2: memref<8x1000x64xf32, #tpu.memory_space<vmem>>, %arg3: memref<512x512xf32, #tpu.memory_space<vmem>>) attributes {dimension_semantics = [#tpu.dimension_semantics<arbitrary>], iteration_bounds = array<i64: 10>, scalar_prefetch = 0 : i64, scratch_operands = 0 : i64, tpu.core_type = #tpu.core_type<tc>, window_params = [{transform_indices = @transform_0, window_bounds = array<i64: 8, 1000, 64>}, {transform_indices = @transform_1, window_bounds = array<i64: 8, 1000, 64>}, {pipeline_mode = #tpu.pipeline_mode<synchronous>, transform_indices = @transform_2, window_bounds = array<i64: 512, 512>}]} {
    %get3A = arith.constant 0 : index
    %get3A_0 = arith.constant 0 : index
    %get3A_1 = arith.constant 0 : index
    %get3A_2 = vector.load %arg1[%get3A, %get3A_0, %get3A_1] : memref<8x1000x64xf32, #tpu.memory_space<vmem>>, vector<1x1000x64xf32>
    %get3A_3 = vector.shape_cast %get3A_2 : vector<1x1000x64xf32> to vector<1000x64xf32>
    %get3A_4 = arith.constant 1 : index
    %get3A_5 = arith.constant 0 : index
    %get3A_6 = arith.constant 0 : index
    %get3A_7 = vector.load %arg1[%get3A_4, %get3A_5, %get3A_6] : memref<8x1000x64xf32, #tpu.memory_space<vmem>>, vector<1x1000x64xf32>
    %get3A_8 = vector.shape_cast %get3A_7 : vector<1x1000x64xf32> to vector<1000x64xf32>
    %get3A_9 = arith.constant 2 : index
    %get3A_10 = arith.constant 0 : index
    %get3A_11 = arith.constant 0 : index
    %get3A_12 = vector.load %arg1[%get3A_9, %get3A_10, %get3A_11] : memref<8x1000x64xf32, #tpu.memory_space<vmem>>, vector<1x1000x64xf32>
    %get3A_13 = vector.shape_cast %get3A_12 : vector<1x1000x64xf32> to vector<1000x64xf32>
    %get3A_14 = arith.constant 3 : index
    %get3A_15 = arith.constant 0 : index
    %get3A_16 = arith.constant 0 : index
    %get3A_17 = vector.load %arg1[%get3A_14, %get3A_15, %get3A_16] : memref<8x1000x64xf32, #tpu.memory_space<vmem>>, vector<1x1000x64xf32>
    %get3A_18 = vector.shape_cast %get3A_17 : vector<1x1000x64xf32> to vector<1000x64xf32>
    %get3A_19 = arith.constant 4 : index
    %get3A_20 = arith.constant 0 : index
    %get3A_21 = arith.constant 0 : index
    %get3A_22 = vector.load %arg1[%get3A_19, %get3A_20, %get3A_21] : memref<8x1000x64xf32, #tpu.memory_space<vmem>>, vector<1x1000x64xf32>
    %get3A_23 = vector.shape_cast %get3A_22 : vector<1x1000x64xf32> to vector<1000x64xf32>
    %get3A_24 = arith.constant 5 : index
    %get3A_25 = arith.constant 0 : index
    %get3A_26 = arith.constant 0 : index
    %get3A_27 = vector.load %arg1[%get3A_24, %get3A_25, %get3A_26] : memref<8x1000x64xf32, #tpu.memory_space<vmem>>, vector<1x1000x64xf32>
    %get3A_28 = vector.shape_cast %get3A_27 : vector<1x1000x64xf32> to vector<1000x64xf32>
    %get3A_29 = arith.constant 6 : index
    %get3A_30 = arith.constant 0 : index
    %get3A_31 = arith.constant 0 : index
    %get3A_32 = vector.load %arg1[%get3A_29, %get3A_30, %get3A_31] : memref<8x1000x64xf32, #tpu.memory_space<vmem>>, vector<1x1000x64xf32>
    %get3A_33 = vector.shape_cast %get3A_32 : vector<1x1000x64xf32> to vector<1000x64xf32>
    %get3A_34 = arith.constant 7 : index
    %get3A_35 = arith.constant 0 : index
    %get3A_36 = arith.constant 0 : index
    %get3A_37 = vector.load %arg1[%get3A_34, %get3A_35, %get3A_36] : memref<8x1000x64xf32, #tpu.memory_space<vmem>>, vector<1x1000x64xf32>
    %get3A_38 = vector.shape_cast %get3A_37 : vector<1x1000x64xf32> to vector<1000x64xf32>
    %concatenate3A = tpu.concatenate %get3A_3, %get3A_8, %get3A_13, %get3A_18, %get3A_23, %get3A_28, %get3A_33, %get3A_38 in 1 : vector<1000x64xf32>, vector<1000x64xf32>, vector<1000x64xf32>, vector<1000x64xf32>, vector<1000x64xf32>, vector<1000x64xf32>, vector<1000x64xf32>, vector<1000x64xf32> -> vector<1000x512xf32>
    %get3A_39 = arith.constant 0 : index
    %get3A_40 = arith.constant 0 : index
    %get3A_41 = arith.constant 0 : index
    %get3A_42 = vector.load %arg2[%get3A_39, %get3A_40, %get3A_41] : memref<8x1000x64xf32, #tpu.memory_space<vmem>>, vector<1x1000x64xf32>
    %get3A_43 = vector.shape_cast %get3A_42 : vector<1x1000x64xf32> to vector<1000x64xf32>
    %get3A_44 = arith.constant 1 : index
    %get3A_45 = arith.constant 0 : index
    %get3A_46 = arith.constant 0 : index
    %get3A_47 = vector.load %arg2[%get3A_44, %get3A_45, %get3A_46] : memref<8x1000x64xf32, #tpu.memory_space<vmem>>, vector<1x1000x64xf32>
    %get3A_48 = vector.shape_cast %get3A_47 : vector<1x1000x64xf32> to vector<1000x64xf32>
    %get3A_49 = arith.constant 2 : index
    %get3A_50 = arith.constant 0 : index
    %get3A_51 = arith.constant 0 : index
    %get3A_52 = vector.load %arg2[%get3A_49, %get3A_50, %get3A_51] : memref<8x1000x64xf32, #tpu.memory_space<vmem>>, vector<1x1000x64xf32>
    %get3A_53 = vector.shape_cast %get3A_52 : vector<1x1000x64xf32> to vector<1000x64xf32>
    %get3A_54 = arith.constant 3 : index
    %get3A_55 = arith.constant 0 : index
    %get3A_56 = arith.constant 0 : index
    %get3A_57 = vector.load %arg2[%get3A_54, %get3A_55, %get3A_56] : memref<8x1000x64xf32, #tpu.memory_space<vmem>>, vector<1x1000x64xf32>
    %get3A_58 = vector.shape_cast %get3A_57 : vector<1x1000x64xf32> to vector<1000x64xf32>
    %get3A_59 = arith.constant 4 : index
    %get3A_60 = arith.constant 0 : index
    %get3A_61 = arith.constant 0 : index
    %get3A_62 = vector.load %arg2[%get3A_59, %get3A_60, %get3A_61] : memref<8x1000x64xf32, #tpu.memory_space<vmem>>, vector<1x1000x64xf32>
    %get3A_63 = vector.shape_cast %get3A_62 : vector<1x1000x64xf32> to vector<1000x64xf32>
    %get3A_64 = arith.constant 5 : index
    %get3A_65 = arith.constant 0 : index
    %get3A_66 = arith.constant 0 : index
    %get3A_67 = vector.load %arg2[%get3A_64, %get3A_65, %get3A_66] : memref<8x1000x64xf32, #tpu.memory_space<vmem>>, vector<1x1000x64xf32>
    %get3A_68 = vector.shape_cast %get3A_67 : vector<1x1000x64xf32> to vector<1000x64xf32>
    %get3A_69 = arith.constant 6 : index
    %get3A_70 = arith.constant 0 : index
    %get3A_71 = arith.constant 0 : index
    %get3A_72 = vector.load %arg2[%get3A_69, %get3A_70, %get3A_71] : memref<8x1000x64xf32, #tpu.memory_space<vmem>>, vector<1x1000x64xf32>
    %get3A_73 = vector.shape_cast %get3A_72 : vector<1x1000x64xf32> to vector<1000x64xf32>
    %get3A_74 = arith.constant 7 : index
    %get3A_75 = arith.constant 0 : index
    %get3A_76 = arith.constant 0 : index
    %get3A_77 = vector.load %arg2[%get3A_74, %get3A_75, %get3A_76] : memref<8x1000x64xf32, #tpu.memory_space<vmem>>, vector<1x1000x64xf32>
    %get3A_78 = vector.shape_cast %get3A_77 : vector<1x1000x64xf32> to vector<1000x64xf32>
    %concatenate3A_79 = tpu.concatenate %get3A_43, %get3A_48, %get3A_53, %get3A_58, %get3A_63, %get3A_68, %get3A_73, %get3A_78 in 1 : vector<1000x64xf32>, vector<1000x64xf32>, vector<1000x64xf32>, vector<1000x64xf32>, vector<1000x64xf32>, vector<1000x64xf32>, vector<1000x64xf32>, vector<1000x64xf32> -> vector<1000x512xf32>
    %dot_general3A = arith.constant dense<0.000000e+00> : vector<512x512xf32>
    %dot_general3A_80 = tpu.matmul %concatenate3A, %concatenate3A_79, %dot_general3A {dimension_numbers = #tpu.dot_dimension_numbers<[0], [0], [1], [1], [0, 1, 1, 1], [], []>, transpose_lhs_hint = false} : vector<1000x512xf32>, vector<1000x512xf32>, vector<512x512xf32> -> vector<512x512xf32>
    %eq3A = arith.constant 0 : i32
    %eq3A_81 = arith.cmpi eq, %arg0, %eq3A : i32
    %convert_element_type3A = arith.extui %eq3A_81 : i1 to i32
    %cond3A = arith.constant 0 : i32
    %cond3A_82 = arith.cmpi ne, %convert_element_type3A, %cond3A : i32
    scf.if %cond3A_82 {
      %swap3A = arith.constant 0 : index
      %swap3A_87 = arith.constant 0 : index
      %swap3A_88 = vector.load %arg3[%swap3A, %swap3A_87] : memref<512x512xf32, #tpu.memory_space<vmem>>, vector<512x512xf32>
      tpu.vector_store %arg3[%swap3A, %swap3A_87], %dot_general3A_80 {strides = array<i32>} : memref<512x512xf32, #tpu.memory_space<vmem>>, vector<512x512xf32>,
    } else {
    }
    %gt3A = arith.constant 0 : i32
    %gt3A_83 = arith.cmpi sgt, %arg0, %gt3A : i32
    %convert_element_type3A_84 = arith.extui %gt3A_83 : i1 to i32
    %cond3A_85 = arith.constant 0 : i32
    %cond3A_86 = arith.cmpi ne, %convert_element_type3A_84, %cond3A_85 : i32
    scf.if %cond3A_86 {
      %get3A_87 = arith.constant 0 : index
      %get3A_88 = arith.constant 0 : index
      %get3A_89 = vector.load %arg3[%get3A_87, %get3A_88] : memref<512x512xf32, #tpu.memory_space<vmem>>, vector<512x512xf32>
      %add3A = arith.addf %get3A_89, %dot_general3A_80 : vector<512x512xf32>
      %swap3A = arith.constant 0 : index
      %swap3A_90 = arith.constant 0 : index
      %swap3A_91 = vector.load %arg3[%swap3A, %swap3A_90] : memref<512x512xf32, #tpu.memory_space<vmem>>, vector<512x512xf32>
      tpu.vector_store %arg3[%swap3A, %swap3A_90], %add3A {strides = array<i32>} : memref<512x512xf32, #tpu.memory_space<vmem>>, vector<512x512xf32>,
    } else {
    }
    return
  }
  func.func @transform_0(%arg0: i32) -> (i32, i32, i32) {
    %c0_i32 = arith.constant 0 : i32
    %c0_i32_0 = arith.constant 0 : i32
    %c0_i32_1 = arith.constant 0 : i32
    return %c0_i32, %arg0, %c0_i32_0 : i32, i32, i32
  }
  func.func @transform_1(%arg0: i32) -> (i32, i32, i32) {
    %c0_i32 = arith.constant 0 : i32
    %c0_i32_0 = arith.constant 0 : i32
    %c0_i32_1 = arith.constant 0 : i32
    return %c0_i32, %arg0, %c0_i32_0 : i32, i32, i32
  }
  func.func @transform_2(%arg0: i32) -> (i32, i32) {
    %c0_i32 = arith.constant 0 : i32
    %c0_i32_0 = arith.constant 0 : i32
    %c0_i32_1 = arith.constant 0 : i32
    return %c0_i32, %c0_i32_0 : i32, i32
  }
}

</mosaic_0001>

<sc_bundles>
// kernel: kernel.6.cloned.1.call-start
scs
__scs_entry_jumppad:
0x0: {  	(pc) =	sbr.rel $0x88, $3  }
0x1: {  	(tag) =	ssettag $0x0;
	lr =	simm.s32 $0x1  }
0x2: {  	[smem:$0x3F9D] =	sst lr;
	_ =	strace $0xD0000000  }
0x3: {  	_ = 	snop  }
0x4: {  	_ = 	snop  }
0x5: {  	_ = 	snop  }
0x6: {  	_ = 	snop  }
0x7: {  	_ = 	snop  }
__scs_overlays_trampoline_lowered:
0x8: {  	[smem:$0x3FAC] =	sst s0  }
0x9: {  	[smem:$0x3FAD] =	sst s1  }
0xa: {  	[smem:$0x3FAE] =	sst s2  }
0xb: {  	[smem:$0x3FAF] =	sst s3  }
0xc: {  	[smem:$0x3FB0] =	sst s4  }
0xd: {  	[smem:$0x3FB1] =	sst s5  }
0xe: {  	[smem:$0x3FB2] =	sst s6  }
0xf: {  	[smem:$0x3FB3] =	sst s7  }
0x10: {  	[smem:$0x3FB4] =	sst s8  }
0x11: {  	[smem:$0x3FB5] =	sst s9;
	s0 =	simm.s32 @!p0 $0x0  }
0x12: {  	s1 =	sld [smem:$0x3F9B];
	s0 =	simm.s32 @p0 $0x1  }
0x13: {  	[smem:$0x3FB6] =	sst s0;
	s0 =	simm.s32 @!p1 $0x0  }
0x14: {  	s2 =	sld [smem:$0x3F9A];
	s0 =	simm.s32 @p1 $0x1  }
0x15: {  	[smem:$0x3FB7] =	sst s0;
	s0 =	simm.s32 @!p2 $0x0  }
0x16: {  	s3 =	sld [smem:$0x3FDB];
	s0 =	simm.s32 @p2 $0x1  }
0x17: {  	s4 =	simm.s32 $0x1BF5;
	[smem:$0x3FB9] =	sst s0  }
0x18: {  	s0 =	sld [smem:$0x3F9C];
	_ =	swait.ge [sflag:s4], $0x0  }
0x19: {  	s7 =	sld [smem:$0x3F9D]  }
0x1a: {  	s8 =	sadd.s32 $0xFFFFE003, lr  }
0x1b: {  	s9 =	sadd.s32 $0xFFFFFEF7, lr;
	s5 =	simm.s32 $0xFFFFFFFF;
	p2 =	slt.u32 s8, $0xFFFFF086  }
0x1c: {  	p1 =	slt.u32 s9, $0xF7A;
	s5 =	simm.s32 @!p2 $0x0  }
0x1d: {  	s5 =	simm.s32 @p1 $0x1;
	p0 =	seq.s32 s7, s2  }
0x1e: {  	s7 =	smul.u32 @!p0 $0xF7A, s2;
	p2 =	seq.s32 @!p0 s5, $0x0  }
0x1f: {  	s9 =	smul.u32 $0xF7A, s1;
	s8 =	simm.s32 @!p0 $0x1BF5;
	p2 =	por !p2, p0  }
0x20: {  	[sflag:s8] =	ssyncset.s32 @!p0 $0xFFFFF086;
	s6 =	sadd.s32 @!p0 s3, s7;
	s7 =	simm.s32 @!p0 $0x108  }
0x21: {  	s3 =	sadd.s32 s3, s9;
	s6 =	sadd.s32 @!p0 $0x88, s6;
	s7 =	simm.s32 @p2 $0x1082  }
0x22: {  	[simem:s7], [sflag:s8] =	dma.local @!p0 [hbm:s6], $0xF7A  }
0x23: {  	s9 =	sor.u32 $0xD0000000, s2;
	s6 =	simm.s32 $0x108;
	_ =	swait.ge @!p0 [sflag:s8], $0x0  }
0x24: {  	s3 =	sadd.s32 $0x88, s3;
	s6 =	simm.s32 @!p1 $0x1082;
	[sflag:s4] =	ssyncset.s32 $0xFFFFF086  }
0x25: {  	[simem:s6], [sflag:s4] =	dma.local [hbm:s3], $0xF7A  }
0x26: {  	[smem:$0x3F9D] =	sst s1;
	(tag) =	ssettag s2;
	_ =	strace s9  }
0x27: {  	s1 =	sld [smem:$0x3FAD]  }
0x28: {  	s2 =	sld [smem:$0x3FAE]  }
0x29: {  	s4 =	sld [smem:$0x3FB0]  }
0x2a: {  	p0 =	seq.s32 s5, $0x0;
	s5 =	sld [smem:$0x3FB1]  }
0x2b: {  	s6 =	sld [smem:$0x3FB2]  }
0x2c: {  	s7 =	sld [smem:$0x3FB3]  }
0x2d: {  	s3 =	simm.s32 $0x108;
	s8 =	sld [smem:$0x3FB4]  }
0x2e: {  	s3 =	simm.s32 @!p0 $0x1082;
	s9 =	sld [smem:$0x3FB5]  }
0x2f: {  	lr =	sadd.s32 s0, s3;
	s0 =	sld [smem:$0x3FAC]  }
0x30: {  	s3 =	sld [smem:$0x3FAF]  }
0x31: {  	[smem:$0x3FB8] =	sst s10  }
0x32: {  	s10 =	sld [smem:$0x3FB6];
	_ =	sdelay $0x3  }
0x33: {  	p0 =	seq.s32 s10, $0x1;
	s10 =	sld [smem:$0x3FB8];
	_ =	sdelay $0x3  }
0x34: {  	[smem:$0x3FB8] =	sst s10  }
0x35: {  	s10 =	sld [smem:$0x3FB7];
	_ =	sdelay $0x3  }
0x36: {  	p1 =	seq.s32 s10, $0x1;
	s10 =	sld [smem:$0x3FB8];
	_ =	sdelay $0x3  }
0x37: {  	[smem:$0x3FB8] =	sst s10  }
0x38: {  	s10 =	sld [smem:$0x3FB9]  }
0x39: {  	_ = 	snop;
	(pc) =	sbr.ind lr, $3  }
0x3a: {  	_ = 	snop  }
0x3b: {  	_ = 	snop  }
0x3c: {  	p2 =	seq.s32 s10, $0x1;
	s10 =	sld [smem:$0x3FB8]  }
0x3d: {  	_ =	shalt  }
0x3e: {  	_ =	shalt  }
0x3f: {  	_ =	shalt  }
0x40: {  	_ =	shalt  }
0x41: {  	_ =	shalt  }
0x42: {  	_ =	shalt  }
0x43: {  	_ =	shalt  }
0x44: {  	_ =	shalt  }
0x45: {  	_ =	shalt  }
0x46: {  	_ =	shalt  }
0x47: {  	_ =	shalt  }
0x48: {  	_ =	shalt  }
0x49: {  	_ =	shalt  }
0x4a: {  	_ =	shalt  }
0x4b: {  	_ =	shalt  }
0x4c: {  	_ =	shalt  }
0x4d: {  	_ =	shalt  }
0x4e: {  	_ =	shalt  }
0x4f: {  	_ =	shalt  }
0x50: {  	_ =	shalt  }
0x51: {  	_ =	shalt  }
0x52: {  	_ =	shalt  }
0x53: {  	_ =	shalt  }
0x54: {  	_ =	shalt  }
0x55: {  	_ =	shalt  }
0x56: {  	_ =	shalt  }
0x57: {  	_ =	shalt  }
0x58: {  	_ =	shalt  }
0x59: {  	_ =	shalt  }
0x5a: {  	_ =	shalt  }
0x5b: {  	_ =	shalt  }
0x5c: {  	_ =	shalt  }
0x5d: {  	_ =	shalt  }
0x5e: {  	_ =	shalt  }
0x5f: {  	_ =	shalt  }
0x60: {  	_ =	shalt  }
0x61: {  	_ =	shalt  }
0x62: {  	_ =	shalt  }
0x63: {  	_ =	shalt  }
0x64: {  	_ =	shalt  }
0x65: {  	_ =	shalt  }
0x66: {  	_ =	shalt  }
0x67: {  	_ =	shalt  }
0x68: {  	_ =	shalt  }
0x69: {  	_ =	shalt  }
0x6a: {  	_ =	shalt  }
0x6b: {  	_ =	shalt  }
0x6c: {  	_ =	shalt  }
0x6d: {  	_ =	shalt  }
0x6e: {  	_ =	shalt  }
0x6f: {  	_ =	shalt  }
0x70: {  	_ =	shalt  }
0x71: {  	_ =	shalt  }
0x72: {  	_ =	shalt  }
0x73: {  	_ =	shalt  }
0x74: {  	_ =	shalt  }
0x75: {  	_ =	shalt  }
0x76: {  	_ =	shalt  }
0x77: {  	_ =	shalt  }
0x78: {  	_ =	shalt  }
0x79: {  	_ =	shalt  }
0x7a: {  	_ =	shalt  }
0x7b: {  	_ =	shalt  }
0x7c: {  	_ =	shalt  }
0x7d: {  	_ =	shalt  }
0x7e: {  	_ =	shalt  }
0x7f: {  	_ =	shalt  }
0x80: {  	_ =	shalt  }
0x81: {  	_ =	shalt  }
0x82: {  	_ =	shalt  }
0x83: {  	_ =	shalt  }
0x84: {  	_ =	shalt  }
0x85: {  	_ =	shalt  }
0x86: {  	_ =	shalt  }
0x87: {  	_ =	shalt  }
.Lfunc_end0:
.L_simem_size_0:
called_computation_lowered:
.L_overlay_start_0:
0x88: {  	s2 =	sld [smem:$0x3FD9]  }
0x89: {  	s3 =	sld [smem:$0x3FFE];
	_ =	sdelay $0x1  }
0x8a: {  	s1 =	srdreg.scid  }
0x8b: {  	s0 =	sand.u32 $0x1, s1  }
0x8c: {  	s14 =	sshll.u32 s0, $0xA;
	s2 =	sadd.s32 s3, s2  }
0x8d: {  	s2 =	sadd.s32 s2, s14  }
0x8e: {  	[smem:$0x3FC4] =	sst s2  }
0x8f: {  	_ = 	snop  }
0x90: {  	s2 =	sld [smem:$0x3FD0];
	_ =	sdelay $0x2  }
0x91: {  	s15 =	simm.s32 $0xA;
	s4 =	simm.s32 $0x10  }
0x92: {  	[smem:s4], [sflag:s15] =	dma.local [hbm:s2], $0x1  }
0x93: {  	_ =	swait.eq [sflag:s15], $0x1  }
0x94: {  	[sflag:s15] =	ssyncset.done $0x0  }
0x95: {  	[sflag:s15] =	ssyncadd.s32 $0xFFFFFFFF  }
0x96: {  	s16 =	sld [smem:$0x10];
	(tm) =	ssettm $0x1  }
0x97: {  	s17 =	sld [smem:$0x3FFB];
	_ =	sdelay $0x3  }
0x98: {  	_ =	strace s17  }
0x99: {  	s3 =	sld [smem:$0x3FFC];
	_ =	sdelay $0x3  }
0x9a: {  	_ =	strace s3  }
0x9b: {  	s3 =	sld [smem:$0x3FFD];
	_ =	sdelay $0x3  }
0x9c: {  	_ =	strace s3  }
0x9d: {  	_ =	strace $0x8FFFFFFF  }
0x9e: {  	s18 =	sld [smem:$0x3FDB];
	_ =	sdelay $0x1  }
0x9f: {  	s19 =	simm.s32 $_scs_section_size  }
0xa0: {  	s5 =	simm.s32 $_size__tile_overlayer_lowered;
	s6 =	simm.s32 $_tile_overlayer_lowered  }
0xa1: {  	s22 =	simm.s32 $0x1BFF;
	s21 =	sshll.u32 s6, $0x1;
	s3 =	sadd.s32 s19, s18  }
0xa2: {  	s7 =	simm.s32 $0x0;
	s20 =	sshll.u32 s5, $0x1;
	s5 =	sadd.s32 s21, s3  }
0xa3: {  	[timem:s7], [sflag:s22] =	dma.local [hbm:s5], s20  }
0xa4: {  	_ =	swait.ge [sflag:s22], s20  }
0xa5: {  	s4 =	ssub.s32 $0x0, s20;
	[sflag:s22] =	ssyncset.done $0x0  }
0xa6: {  	[sflag:s22] =	ssyncadd.s32 s4;
	_ =	sdelay $0x1  }
0xa7: {  	s23 =	simm.s32 $0x1B8B  }
0xa8: {  	_ =	swait.ge [sflag:s23], $0x1  }
0xa9: {  	[sflag:s23] =	ssyncset.done $0x0  }
0xaa: {  	s25 =	simm.s32 $0x1B8E;
	s24 =	sld [smem:$0x3FFE];
	[sflag:s23] =	ssyncadd.s32 $0xFFFFFFFF  }
0xab: {  	s26 =	simm.s32 $execute0_lowered;
	[smem:$0x3FD2] =	sst s25  }
0xac: {  	s5 =	sshll.u32 s26, $0x1;
	_ =	strace $0x80000046;
	[dreg:$0x1] =	wrdreg $0xFFFFFFFF  }
0xad: {  	s28 =	simm.s32 $_size_execute0_lowered;
	s3 =	sadd.s32 s3, s5;
	[dreg:$0x0] =	wrdreg $0x0  }
0xae: {  	s5 =	sshll.u32 s28, $0x1;
	[dreg:$0x2] =	wrdreg s3  }
0xaf: {  	[dreg:$0x3] =	wrdreg s5  }
0xb0: {  	[dreg:$0x4] =	wrdreg $0xC0  }
0xb1: {  	_ =	task [dreg:s7], $0x5FFFF  }
0xb2: {  	[dreg:$0x1] =	wrdreg $0xFFFFFFFF  }
0xb3: {  	[dreg:$0x0] =	wrdreg $0x60  }
0xb4: {  	[dreg:$0x2] =	wrdreg s24  }
0xb5: {  	[dreg:$0x3] =	wrdreg s16  }
0xb6: {  	[dreg:$0x4] =	wrdreg $0x8F000  }
0xb7: {  	[dreg:$0x5] =	wrdreg $0x9  }
0xb8: {  	_ =	task.clear_ibuf [dreg:s7], $0x6FFFF;
	_ =	strace $0x90000046  }
0xb9: {  	s29 =	simm.s32 $0x9;
	_ =	strace $0x80000048  }
0xba: {  	_ =	swait.ge [sflag:s29], $0x1  }
0xbb: {  	[sflag:s29] =	ssyncadd.s32 $0xFFFFFFFF  }
0xbc: {  	_ =	strace $0x90000048  }
0xbd: {  	_ =	sfence  }
0xbe: {  	s30 =	sld [smem:$0x0];
	_ =	sdelay $0x2  }
0xbf: {  	s31 =	sshll.u32 s1, $0xD;
	s1 =	sshrl.u32 s1, $0x2  }
0xc0: {  	s3 =	sand.u32 $0x4000, s31;
	s1 =	sadd.s32 s1, s30  }
0xc1: {  	s0 =	sor.u32 s3, s0;
	s1 =	sshll.u32 s1, $0x11  }
0xc2: {  	s0 =	sor.u32 s1, s0  }
0xc3: {  	s0 =	sadd.s32 $0x8F2B, s0  }
0xc4: {  	[sflag:s0] =	ssyncadd.remote.s32 $0x1  }
0xc5: {  	_ =	sfence.sel $0xFFFF  }
0xc6: {  	[dreg:$0x0] =	wrdreg $0xFFFFFFFF;
	(pc) =	sbr.abs _section_cstart, $3  }
0xc7: {  	[dreg:$0x1] =	wrdreg $0xFFFFFFFF  }
0xc8: {  	_ =	task.clear_ibuf [dreg:s7], $0x2FFFF;
	_ =	strace $0x9FFFFFFF  }
0xc9: {  	(tm) =	ssettm $0x7FFFFFFF  }
tec
execute0_lowered:
.L_overlay_start_1:
0x0: {  	(tag) =	ssettag $0x1  }
0x1: {  	s6 =	rddreg [dreg:$0x0]  }
0x2: {  	s7 =	rddreg [dreg:$0x1]  }
0x3: {  	s0 =	srdreg.scid;
	s2 =	rddreg [dreg:$0x2]  }
0x4: {  	s3 =	simm.s32 $0x0;
	s15 =	simm.s32 $0x1;
	s16 =	simm.s32 $0x6F00  }
0x5: {  	s17 =	simm.s32 $0x80;
	s5 =	sand.u32 $0x1, s0;
	s0 =	stileid.u32  }
0x6: {  	s18 =	simm.s32 $0x4F00;
	s21 =	simm.s32 $0x0;
	s9 =	smul.u32 $0x1400, s0  }
0x7: {  	[smem:$0x7FF] =	sst s3;
	s4 =	sadd.s32 $0xA200, s6;
	s10 =	smul.u32 $0x14000, s5  }
0x8: {  	s1 =	sshll.u32 s5, $0x4;
	s11 =	smul.u32 $0x28000, s0;
	s28 =	ssub.s32 $0x2, s5  }
0x9: {  	s29 =	smul.u32 $0x4F0, s0;
	s19 =	sshll.u32 s0, $0x6;
	s1 =	sor.u32 s0, s1  }
0xa: {  	s31 =	sshrl.u32 s28, $0x1;
	s19 =	sor.u32 $0x1C01, s19;
	s8 =	smul.u32 $0x4F0, s1  }
0xb: {  	s1 =	rddreg [dreg:$0x3];
	_ =	strace $0x80000047;
	s26 =	sadd.s32 s9, s10  }
0xc: {  	s30 =	sshrl.u32 s11, $0x2;
	s14 =	ssub.s32 s28, s31;
	s13 =	sadd.s32 s26, s6  }
0xd: {  	s5 =	sadd.s32 s30, s2;
	s12 =	sadd.s32 s8, s6;
	s6 =	sadd.s32 s7, s29  }
0xe: {  	s7 =	sadd.s32 $0x2000, s5;
	s8 =	sadd.s32 $0x4000, s5;
	s9 =	sadd.s32 $0x6000, s5  }
0xf: {  	s10 =	sadd.s32 $0x8000, s5;
	s20 =	sshrl.u32 s5, $0x3;
	s11 =	sadd.s32 $0x400, s12  }
0x10: {  	v0 =	vimm.f32 $0.0e+00;
	s12 =	sadd.s32 $0x31400, s13;
	s13 =	smax.u32 s14, $0x1;
	s14 =	simm.s32 $0x2780  }
.LBB2_1:
0x11: {  	[tilespmem:s14], [sflag:$0x1] =	stream.linear.gather [hbm4b:s6+s3], $0x2780, $0x38;
	[tilespmem:$0x12F00] =	vst v63  }
0x12: {  	s22 =	sand.u32 $0x7F00, s3;
	s23 =	sand.u32 $0x30, s3;
	_ =	swait.ge [sflag:s15], $0x2780  }
0x13: {  	s24 =	sshrl.u32 s22, $0x2;
	s22 =	simm.s32 $0x40;
	[sflag:s15] =	ssyncset.done $0x0  }
0x14: {  	s24 =	sor.u32 s23, s24;
	s23 =	simm.s32 $0x0;
	[sflag:s15] =	ssyncadd.s32 $0xFFFFD880  }
.LBB2_2:
0x15: {  	p0 =	sne.s32 s22, $0x7FC0  }
0x16: {  	[tilespmem:s24+$0x6F00] =	vst v0;
	s23 =	sadd.s32 $0x10, s23;
	s24 =	smov.u32 s22;
	s22 =	sadd.s32 $0x40, s22  }
.Ltmp0:
0x17: {  	(pc) =	sbr.rel @p0 .LBB2_2-.Ltmp0, $4  }
0x18: {  	_ = 	snop  }
0x19: {  	s24 =	sand.u32 $0x7F00, s24  }
0x1a: {  	s25 =	sand.u32 $0x30, s23;
	s24 =	sshrl.u32 s24, $0x2  }
0x1b: {  	s24 =	sor.u32 s25, s24  }
0x1c: {  	[tilespmem:s24+$0x6F00] =	vst v0  }
0x1d: {  	[spmem:s5] =	stream.linear.scatter [tilespmem:s16], [sflag:$0x1], $0x2000, $0x38;
	[tilespmem:$0x12F00] =	vst v63  }
0x1e: {  	_ =	swait.ge [sflag:s15], $0x2000  }
0x1f: {  	[sflag:s15] =	ssyncset.done $0x0  }
0x20: {  	[sflag:s15] =	ssyncadd.s32 $0xFFFFE000  }
0x21: {  	[spmem:s7] =	stream.linear.scatter [tilespmem:s16], [sflag:$0x1], $0x2000, $0x38;
	[tilespmem:$0x12F00] =	vst v63  }
0x22: {  	_ =	swait.ge [sflag:s15], $0x2000  }
0x23: {  	[sflag:s15] =	ssyncset.done $0x0  }
0x24: {  	[sflag:s15] =	ssyncadd.s32 $0xFFFFE000  }
0x25: {  	[spmem:s8] =	stream.linear.scatter [tilespmem:s16], [sflag:$0x1], $0x2000, $0x38;
	[tilespmem:$0x12F00] =	vst v63  }
0x26: {  	_ =	swait.ge [sflag:s15], $0x2000  }
0x27: {  	[sflag:s15] =	ssyncset.done $0x0  }
0x28: {  	[sflag:s15] =	ssyncadd.s32 $0xFFFFE000  }
0x29: {  	[spmem:s9] =	stream.linear.scatter [tilespmem:s16], [sflag:$0x1], $0x2000, $0x38;
	[tilespmem:$0x12F00] =	vst v63  }
0x2a: {  	_ =	swait.ge [sflag:s15], $0x2000  }
0x2b: {  	[sflag:s15] =	ssyncset.done $0x0  }
0x2c: {  	[sflag:s15] =	ssyncadd.s32 $0xFFFFE000  }
0x2d: {  	[spmem:s10] =	stream.linear.scatter [tilespmem:s16], [sflag:$0x1], $0x2000, $0x38;
	[tilespmem:$0x12F00] =	vst v63  }
0x2e: {  	_ =	swait.ge [sflag:s15], $0x2000  }
0x2f: {  	[sflag:s15] =	ssyncset.done $0x0  }
0x30: {  	s22 =	simm.s32 $0x0;
	[sflag:s15] =	ssyncadd.s32 $0xFFFFE000  }
0x31: {  	[tilespmem:s22], [sflag:$0x1] =	stream.linear.gather [hbm4b:s11+s22], $0x2780, $0x38;
	[tilespmem:$0x12F00] =	vst v63  }
0x32: {  	_ =	swait.ge [sflag:s15], $0x2780  }
0x33: {  	[sflag:s15] =	ssyncset.done $0x0  }
0x34: {  	[sflag:s15] =	ssyncadd.s32 $0xFFFFD880  }
0x35: {  	s30 =	simm.s32 $0x0;
	[bflag:$0x0] =	sbarrier.arrive $0xFFFF  }
0x36: {  	[tilespmem:s18], [sflag:$0x1] =	stream.indirect.gather [hbm4b:s4+s17], $0x40, s30, s17, $0xb8;
	[tilespmem:$0x12F00] =	vst v63  }
0x37: {  	_ =	swait.ge [sflag:s15], $0x2000  }
0x38: {  	[sflag:s15] =	ssyncset.done $0x0  }
0x39: {  	s31 =	simm.s32 $0x2780;
	[sflag:s15] =	ssyncadd.s32 $0xFFFFE000  }
0x3a: {  	[spmem:s2] =	stream.indirect.scatter.add.f32 [tilespmem:s18], [sflag:$0x1], $0x40, s31, s17, $0xb8;
	[tilespmem:$0x12F00] =	vst v63  }
0x3b: {  	_ =	swait.ge [sflag:s15], $0x2000  }
0x3c: {  	s23 =	simm.s32 $0x400;
	s22 =	simm.s32 $0x200;
	[sflag:s15] =	ssyncset.done $0x0  }
.LBB2_4:
0x3d: {  	s24 =	sshra.s32 s22, $0x2  }
0x3e: {  	[sflag:s15] =	ssyncadd.s32 $0xFFFFE000;
	s22 =	smov.u32 s23;
	s25 =	sadd.s32 $0x200, s23  }
0x3f: {  	[tilespmem:s18], [sflag:$0x1] =	stream.indirect.gather [hbm4b:s4+s17], $0x40, s24, s17, $0xb8;
	[tilespmem:$0x12F00] =	vst v63  }
0x40: {  	p0 =	sne.s32 s23, $0x9C00;
	_ =	swait.ge [sflag:s15], $0x2000  }
.Ltmp1:
0x41: {  	[sflag:s15] =	ssyncset.done $0x0;
	(pc) =	sbr.rel @p0 .LBB2_4-.Ltmp1, $4  }
0x42: {  	s23 =	sadd.s32 $0x2780, s24;
	[sflag:s15] =	ssyncadd.s32 $0xFFFFE000  }
0x43: {  	[spmem:s2] =	stream.indirect.scatter.add.f32 [tilespmem:s18], [sflag:$0x1], $0x40, s23, s17, $0xb8;
	[tilespmem:$0x12F00] =	vst v63  }
0x44: {  	_ =	swait.ge [sflag:s15], $0x2000  }
0x45: {  	s23 =	smov.u32 s25;
	[sflag:s15] =	ssyncset.done $0x0  }
0x46: {  	s22 =	sshra.s32 s22, $0x2;
	[sflag:s15] =	ssyncadd.s32 $0xFFFFE000  }
0x47: {  	[tilespmem:s18], [sflag:$0x1] =	stream.indirect.gather [hbm4b:s4+s17], $0x40, s22, s17, $0xb8;
	[tilespmem:$0x12F00] =	vst v63  }
0x48: {  	_ =	swait.ge [sflag:s15], $0x2000  }
0x49: {  	[sflag:s15] =	ssyncset.done $0x0  }
0x4a: {  	s22 =	sadd.s32 $0x2780, s22;
	[sflag:s15] =	ssyncadd.s32 $0xFFFFE000  }
0x4b: {  	[spmem:s2] =	stream.indirect.scatter.add.f32 [tilespmem:s18], [sflag:$0x1], $0x40, s22, s17, $0xb8;
	[tilespmem:$0x12F00] =	vst v63  }
0x4c: {  	_ =	swait.ge [sflag:s15], $0x2000  }
0x4d: {  	[sflag:s15] =	ssyncset.done $0x0  }
0x4e: {  	s21 =	sadd.s32 $0x1, s21;
	[sflag:s15] =	ssyncadd.s32 $0xFFFFE000  }
0x4f: {  	p0 =	sne.s32 s21, s13;
	[bflag:$0x0] =	sbarrier.arrive $0xFFFF  }
0x50: {  	[hbm:s12], [sflag:s19] =	dma.local [spmem:s20], $0x1400  }
.Ltmp2:
0x51: {  	_ =	swait.ge [sflag:s15], $0x1400;
	(pc) =	sbr.rel @p0 .LBB2_1-.Ltmp2, $3  }
0x52: {  	[sflag:s15] =	ssyncset.done $0x0  }
0x53: {  	[sflag:s15] =	ssyncadd.s32 $0xFFFFEC00  }
0x54: {  	[bflag:$0x0] =	sbarrier.arrive $0xFFFF;
	_ =	sdelay $0x1  }
0x55: {  	_ =	sfence.sel $0x180000  }
0x56: {  	[bflag:$0x0] =	sbarrier.arrive $0xFFFF  }
0x57: {  	p0 =	sne.s32 s0, $0x0;
	_ =	strace $0x90000047  }
0x58: {  	s0 =	sadd.s32 @!p0 $0x100000, s1;
	[bflag:$0x2] =	sbarrier.arrive $0xFFFF  }
0x59: {  	[sflag:s0] =	ssyncadd.tile.s32 @!p0 $0x1;
	_ =	shalt  }
.Lfunc_end2:
_tile_overlayer_lowered:
.L_overlay_start_2:
0x5a: {  	(tag) =	ssettag $0x2  }
0x5b: {  	s0 =	rddreg [dreg:$0x0];
	s2 =	stileid.u32  }
0x5c: {  	s1 =	rddreg [dreg:$0x1];
	p0 =	sne.s32 s2, $0x0  }
0x5d: {  	s3 =	rddreg [dreg:$0x2];
	[bflag:$0x3] =	sbarrier.arrive $0xFFFF;
	s2 =	simm.s32 @!p0 $0x1C01  }
0x5e: {  	[timem:s3], [sflag:s2] =	dma.local @!p0 [hbm:s0], s1  }
0x5f: {  	s0 =	simm.s32 @!p0 $0x1  }
0x60: {  	_ =	swait.ge @!p0 [sflag:s0], s1  }
0x61: {  	s1 =	ssub.s32 @!p0 $0x0, s1;
	[sflag:s0] =	ssyncset.done @!p0 $0x0  }
0x62: {  	[sflag:s0] =	ssyncadd.s32 @!p0 s1  }
0x63: {  	[bflag:$0x3] =	sbarrier.arrive $0xFFFF  }
0x64: {  	_ =	shalt  }

// kernel: kernel.9.cloned.1.call-start
scs
__scs_entry_jumppad:
0x0: {  	(pc) =	sbr.rel $0x88, $3  }
0x1: {  	(tag) =	ssettag $0x0;
	lr =	simm.s32 $0x1  }
0x2: {  	[smem:$0x3F9D] =	sst lr;
	_ =	strace $0xD0000000  }
0x3: {  	_ = 	snop  }
0x4: {  	_ = 	snop  }
0x5: {  	_ = 	snop  }
0x6: {  	_ = 	snop  }
0x7: {  	_ = 	snop  }
__scs_overlays_trampoline_lowered:
0x8: {  	[smem:$0x3FAC] =	sst s0  }
0x9: {  	[smem:$0x3FAD] =	sst s1  }
0xa: {  	[smem:$0x3FAE] =	sst s2  }
0xb: {  	[smem:$0x3FAF] =	sst s3  }
0xc: {  	[smem:$0x3FB0] =	sst s4  }
0xd: {  	[smem:$0x3FB1] =	sst s5  }
0xe: {  	[smem:$0x3FB2] =	sst s6  }
0xf: {  	[smem:$0x3FB3] =	sst s7  }
0x10: {  	[smem:$0x3FB4] =	sst s8  }
0x11: {  	[smem:$0x3FB5] =	sst s9;
	s0 =	simm.s32 @!p0 $0x0  }
0x12: {  	s1 =	sld [smem:$0x3F9B];
	s0 =	simm.s32 @p0 $0x1  }
0x13: {  	[smem:$0x3FB6] =	sst s0;
	s0 =	simm.s32 @!p1 $0x0  }
0x14: {  	s2 =	sld [smem:$0x3F9A];
	s0 =	simm.s32 @p1 $0x1  }
0x15: {  	[smem:$0x3FB7] =	sst s0;
	s0 =	simm.s32 @!p2 $0x0  }
0x16: {  	s3 =	sld [smem:$0x3FDB];
	s0 =	simm.s32 @p2 $0x1  }
0x17: {  	s4 =	simm.s32 $0x1BF5;
	[smem:$0x3FB9] =	sst s0  }
0x18: {  	s0 =	sld [smem:$0x3F9C];
	_ =	swait.ge [sflag:s4], $0x0  }
0x19: {  	s7 =	sld [smem:$0x3F9D]  }
0x1a: {  	s8 =	sadd.s32 $0xFFFFE003, lr  }
0x1b: {  	s9 =	sadd.s32 $0xFFFFFEF7, lr;
	s5 =	simm.s32 $0xFFFFFFFF;
	p2 =	slt.u32 s8, $0xFFFFF086  }
0x1c: {  	p1 =	slt.u32 s9, $0xF7A;
	s5 =	simm.s32 @!p2 $0x0  }
0x1d: {  	s5 =	simm.s32 @p1 $0x1;
	p0 =	seq.s32 s7, s2  }
0x1e: {  	s7 =	smul.u32 @!p0 $0xF7A, s2;
	p2 =	seq.s32 @!p0 s5, $0x0  }
0x1f: {  	s9 =	smul.u32 $0xF7A, s1;
	s8 =	simm.s32 @!p0 $0x1BF5;
	p2 =	por !p2, p0  }
0x20: {  	[sflag:s8] =	ssyncset.s32 @!p0 $0xFFFFF086;
	s6 =	sadd.s32 @!p0 s3, s7;
	s7 =	simm.s32 @!p0 $0x108  }
0x21: {  	s3 =	sadd.s32 s3, s9;
	s6 =	sadd.s32 @!p0 $0x88, s6;
	s7 =	simm.s32 @p2 $0x1082  }
0x22: {  	[simem:s7], [sflag:s8] =	dma.local @!p0 [hbm:s6], $0xF7A  }
0x23: {  	s9 =	sor.u32 $0xD0000000, s2;
	s6 =	simm.s32 $0x108;
	_ =	swait.ge @!p0 [sflag:s8], $0x0  }
0x24: {  	s3 =	sadd.s32 $0x88, s3;
	s6 =	simm.s32 @!p1 $0x1082;
	[sflag:s4] =	ssyncset.s32 $0xFFFFF086  }
0x25: {  	[simem:s6], [sflag:s4] =	dma.local [hbm:s3], $0xF7A  }
0x26: {  	[smem:$0x3F9D] =	sst s1;
	(tag) =	ssettag s2;
	_ =	strace s9  }
0x27: {  	s1 =	sld [smem:$0x3FAD]  }
0x28: {  	s2 =	sld [smem:$0x3FAE]  }
0x29: {  	s4 =	sld [smem:$0x3FB0]  }
0x2a: {  	p0 =	seq.s32 s5, $0x0;
	s5 =	sld [smem:$0x3FB1]  }
0x2b: {  	s6 =	sld [smem:$0x3FB2]  }
0x2c: {  	s7 =	sld [smem:$0x3FB3]  }
0x2d: {  	s3 =	simm.s32 $0x108;
	s8 =	sld [smem:$0x3FB4]  }
0x2e: {  	s3 =	simm.s32 @!p0 $0x1082;
	s9 =	sld [smem:$0x3FB5]  }
0x2f: {  	lr =	sadd.s32 s0, s3;
	s0 =	sld [smem:$0x3FAC]  }
0x30: {  	s3 =	sld [smem:$0x3FAF]  }
0x31: {  	[smem:$0x3FB8] =	sst s10  }
0x32: {  	s10 =	sld [smem:$0x3FB6];
	_ =	sdelay $0x3  }
0x33: {  	p0 =	seq.s32 s10, $0x1;
	s10 =	sld [smem:$0x3FB8];
	_ =	sdelay $0x3  }
0x34: {  	[smem:$0x3FB8] =	sst s10  }
0x35: {  	s10 =	sld [smem:$0x3FB7];
	_ =	sdelay $0x3  }
0x36: {  	p1 =	seq.s32 s10, $0x1;
	s10 =	sld [smem:$0x3FB8];
	_ =	sdelay $0x3  }
0x37: {  	[smem:$0x3FB8] =	sst s10  }
0x38: {  	s10 =	sld [smem:$0x3FB9]  }
0x39: {  	_ = 	snop;
	(pc) =	sbr.ind lr, $3  }
0x3a: {  	_ = 	snop  }
0x3b: {  	_ = 	snop  }
0x3c: {  	p2 =	seq.s32 s10, $0x1;
	s10 =	sld [smem:$0x3FB8]  }
0x3d: {  	_ =	shalt  }
0x3e: {  	_ =	shalt  }
0x3f: {  	_ =	shalt  }
0x40: {  	_ =	shalt  }
0x41: {  	_ =	shalt  }
0x42: {  	_ =	shalt  }
0x43: {  	_ =	shalt  }
0x44: {  	_ =	shalt  }
0x45: {  	_ =	shalt  }
0x46: {  	_ =	shalt  }
0x47: {  	_ =	shalt  }
0x48: {  	_ =	shalt  }
0x49: {  	_ =	shalt  }
0x4a: {  	_ =	shalt  }
0x4b: {  	_ =	shalt  }
0x4c: {  	_ =	shalt  }
0x4d: {  	_ =	shalt  }
0x4e: {  	_ =	shalt  }
0x4f: {  	_ =	shalt  }
0x50: {  	_ =	shalt  }
0x51: {  	_ =	shalt  }
0x52: {  	_ =	shalt  }
0x53: {  	_ =	shalt  }
0x54: {  	_ =	shalt  }
0x55: {  	_ =	shalt  }
0x56: {  	_ =	shalt  }
0x57: {  	_ =	shalt  }
0x58: {  	_ =	shalt  }
0x59: {  	_ =	shalt  }
0x5a: {  	_ =	shalt  }
0x5b: {  	_ =	shalt  }
0x5c: {  	_ =	shalt  }
0x5d: {  	_ =	shalt  }
0x5e: {  	_ =	shalt  }
0x5f: {  	_ =	shalt  }
0x60: {  	_ =	shalt  }
0x61: {  	_ =	shalt  }
0x62: {  	_ =	shalt  }
0x63: {  	_ =	shalt  }
0x64: {  	_ =	shalt  }
0x65: {  	_ =	shalt  }
0x66: {  	_ =	shalt  }
0x67: {  	_ =	shalt  }
0x68: {  	_ =	shalt  }
0x69: {  	_ =	shalt  }
0x6a: {  	_ =	shalt  }
0x6b: {  	_ =	shalt  }
0x6c: {  	_ =	shalt  }
0x6d: {  	_ =	shalt  }
0x6e: {  	_ =	shalt  }
0x6f: {  	_ =	shalt  }
0x70: {  	_ =	shalt  }
0x71: {  	_ =	shalt  }
0x72: {  	_ =	shalt  }
0x73: {  	_ =	shalt  }
0x74: {  	_ =	shalt  }
0x75: {  	_ =	shalt  }
0x76: {  	_ =	shalt  }
0x77: {  	_ =	shalt  }
0x78: {  	_ =	shalt  }
0x79: {  	_ =	shalt  }
0x7a: {  	_ =	shalt  }
0x7b: {  	_ =	shalt  }
0x7c: {  	_ =	shalt  }
0x7d: {  	_ =	shalt  }
0x7e: {  	_ =	shalt  }
0x7f: {  	_ =	shalt  }
0x80: {  	_ =	shalt  }
0x81: {  	_ =	shalt  }
0x82: {  	_ =	shalt  }
0x83: {  	_ =	shalt  }
0x84: {  	_ =	shalt  }
0x85: {  	_ =	shalt  }
0x86: {  	_ =	shalt  }
0x87: {  	_ =	shalt  }
.Lfunc_end0:
.L_simem_size_0:
called_computation.1_lowered:
.L_overlay_start_0:
0x88: {  	s2 =	sld [smem:$0x3FD9]  }
0x89: {  	s3 =	sld [smem:$0x3FFE];
	_ =	sdelay $0x1  }
0x8a: {  	s1 =	srdreg.scid  }
0x8b: {  	s0 =	sand.u32 $0x1, s1  }
0x8c: {  	s14 =	sshll.u32 s0, $0xA;
	s2 =	sadd.s32 s3, s2  }
0x8d: {  	s2 =	sadd.s32 s2, s14  }
0x8e: {  	[smem:$0x3FC4] =	sst s2  }
0x8f: {  	_ = 	snop  }
0x90: {  	s2 =	sld [smem:$0x3FD0];
	_ =	sdelay $0x2  }
0x91: {  	s15 =	simm.s32 $0xA;
	s4 =	simm.s32 $0x10  }
0x92: {  	[smem:s4], [sflag:s15] =	dma.local [hbm:s2], $0x1  }
0x93: {  	_ =	swait.eq [sflag:s15], $0x1  }
0x94: {  	[sflag:s15] =	ssyncset.done $0x0  }
0x95: {  	[sflag:s15] =	ssyncadd.s32 $0xFFFFFFFF  }
0x96: {  	s16 =	sld [smem:$0x10];
	(tm) =	ssettm $0x1  }
0x97: {  	s17 =	sld [smem:$0x3FFB];
	_ =	sdelay $0x3  }
0x98: {  	_ =	strace s17  }
0x99: {  	s3 =	sld [smem:$0x3FFC];
	_ =	sdelay $0x3  }
0x9a: {  	_ =	strace s3  }
0x9b: {  	s3 =	sld [smem:$0x3FFD];
	_ =	sdelay $0x3  }
0x9c: {  	_ =	strace s3  }
0x9d: {  	_ =	strace $0x8FFFFFFF  }
0x9e: {  	s18 =	sld [smem:$0x3FDB];
	_ =	sdelay $0x1  }
0x9f: {  	s19 =	simm.s32 $_scs_section_size  }
0xa0: {  	s5 =	simm.s32 $_size__tile_overlayer_lowered;
	s6 =	simm.s32 $_tile_overlayer_lowered  }
0xa1: {  	s22 =	simm.s32 $0x1BFF;
	s21 =	sshll.u32 s6, $0x1;
	s3 =	sadd.s32 s19, s18  }
0xa2: {  	s7 =	simm.s32 $0x0;
	s20 =	sshll.u32 s5, $0x1;
	s5 =	sadd.s32 s21, s3  }
0xa3: {  	[timem:s7], [sflag:s22] =	dma.local [hbm:s5], s20  }
0xa4: {  	_ =	swait.ge [sflag:s22], s20  }
0xa5: {  	s4 =	ssub.s32 $0x0, s20;
	[sflag:s22] =	ssyncset.done $0x0  }
0xa6: {  	[sflag:s22] =	ssyncadd.s32 s4;
	_ =	sdelay $0x1  }
0xa7: {  	s23 =	simm.s32 $0x1B8B  }
0xa8: {  	_ =	swait.ge [sflag:s23], $0x1  }
0xa9: {  	[sflag:s23] =	ssyncset.done $0x0  }
0xaa: {  	s25 =	simm.s32 $0x1B8E;
	s24 =	sld [smem:$0x3FFE];
	[sflag:s23] =	ssyncadd.s32 $0xFFFFFFFF  }
0xab: {  	s26 =	simm.s32 $execute0_lowered;
	[smem:$0x3FD2] =	sst s25  }
0xac: {  	s5 =	sshll.u32 s26, $0x1;
	_ =	strace $0x80000049;
	[dreg:$0x1] =	wrdreg $0xFFFFFFFF  }
0xad: {  	s28 =	simm.s32 $_size_execute0_lowered;
	s3 =	sadd.s32 s3, s5;
	[dreg:$0x0] =	wrdreg $0x0  }
0xae: {  	s5 =	sshll.u32 s28, $0x1;
	[dreg:$0x2] =	wrdreg s3  }
0xaf: {  	[dreg:$0x3] =	wrdreg s5  }
0xb0: {  	[dreg:$0x4] =	wrdreg $0xC0  }
0xb1: {  	_ =	task [dreg:s7], $0x5FFFF  }
0xb2: {  	[dreg:$0x1] =	wrdreg $0xFFFFFFFF  }
0xb3: {  	[dreg:$0x0] =	wrdreg $0x60  }
0xb4: {  	[dreg:$0x2] =	wrdreg s24  }
0xb5: {  	[dreg:$0x3] =	wrdreg s16  }
0xb6: {  	[dreg:$0x4] =	wrdreg $0x8F000  }
0xb7: {  	[dreg:$0x5] =	wrdreg $0x9  }
0xb8: {  	_ =	task.clear_ibuf [dreg:s7], $0x6FFFF;
	_ =	strace $0x90000049  }
0xb9: {  	s29 =	simm.s32 $0x9;
	_ =	strace $0x8000004B  }
0xba: {  	_ =	swait.ge [sflag:s29], $0x1  }
0xbb: {  	[sflag:s29] =	ssyncadd.s32 $0xFFFFFFFF  }
0xbc: {  	_ =	strace $0x9000004B  }
0xbd: {  	_ =	sfence  }
0xbe: {  	s30 =	sld [smem:$0x0];
	_ =	sdelay $0x2  }
0xbf: {  	s31 =	sshll.u32 s1, $0xD;
	s1 =	sshrl.u32 s1, $0x2  }
0xc0: {  	s3 =	sand.u32 $0x4000, s31;
	s1 =	sadd.s32 s1, s30  }
0xc1: {  	s0 =	sor.u32 s3, s0;
	s1 =	sshll.u32 s1, $0x11  }
0xc2: {  	s0 =	sor.u32 s1, s0  }
0xc3: {  	s0 =	sadd.s32 $0x8F2B, s0  }
0xc4: {  	[sflag:s0] =	ssyncadd.remote.s32 $0x1  }
0xc5: {  	_ =	sfence.sel $0xFFFF  }
0xc6: {  	[dreg:$0x0] =	wrdreg $0xFFFFFFFF;
	(pc) =	sbr.abs _section_cstart, $3  }
0xc7: {  	[dreg:$0x1] =	wrdreg $0xFFFFFFFF  }
0xc8: {  	_ =	task.clear_ibuf [dreg:s7], $0x2FFFF;
	_ =	strace $0x9FFFFFFF  }
0xc9: {  	(tm) =	ssettm $0x7FFFFFFF  }
tec
execute0_lowered:
.L_overlay_start_1:
0x0: {  	(tag) =	ssettag $0x1  }
0x1: {  	s5 =	rddreg [dreg:$0x0]  }
0x2: {  	s6 =	rddreg [dreg:$0x1]  }
0x3: {  	s1 =	rddreg [dreg:$0x2];
	s3 =	simm.s32 $0x0;
	s7 =	srdreg.scid  }
0x4: {  	s2 =	stileid.u32;
	s24 =	simm.s32 $0x4F00;
	s25 =	simm.s32 $0x0  }
0x5: {  	[smem:$0x7FF] =	sst s3;
	s4 =	sadd.s32 $0x1C0C00, s5;
	s28 =	smul.u32 $0x28000, s2  }
0x6: {  	s15 =	sand.u32 $0x1, s7;
	s9 =	smul.u32 $0x4F0, s2;
	s18 =	sadd.s32 $0x260C00, s5  }
0x7: {  	s17 =	sadd.s32 $0x59400, s5;
	s16 =	smul.u32 $0x280, s2;
	_ =	strace $0x8000004A  }
0x8: {  	s8 =	ssub.s32 $0x2, s15;
	s20 =	sshll.u32 s15, $0x2;
	s11 =	sshll.u32 s15, $0x6  }
0x9: {  	s12 =	smul.u32 $0xA000, s15;
	s15 =	sshllo.u32 s15, $0x2;
	s29 =	sshrl.u32 s8, $0x1  }
0xa: {  	s7 =	sshrl.u32 s28, $0x2;
	s5 =	sadd.s32 s6, s9;
	s13 =	sor.u32 $0x1, s20  }
0xb: {  	s11 =	sor.u32 s2, s11;
	s22 =	sshll.u32 s15, $0x4;
	s15 =	smul.u32 $0x2800, s15  }
0xc: {  	s20 =	sor.u32 $0x2, s20;
	s14 =	sshll.u32 s13, $0x4;
	s13 =	smul.u32 $0x2800, s13  }
0xd: {  	s19 =	ssub.s32 s8, s29;
	s6 =	sadd.s32 s7, s1;
	s11 =	smul.u32 $0x4F0, s11  }
0xe: {  	s12 =	sadd.s32 s16, s12;
	s30 =	sshll.u32 s20, $0x4;
	s20 =	smul.u32 $0x2800, s20  }
0xf: {  	s22 =	sor.u32 s2, s22;
	s7 =	sadd.s32 $0x2000, s6;
	s8 =	sadd.s32 $0x4000, s6  }
0x10: {  	s9 =	sadd.s32 $0x6000, s6;
	s10 =	sadd.s32 $0x8000, s6;
	s14 =	sor.u32 s2, s14  }
0x11: {  	s12 =	sshll.u32 s12, $0x3;
	s22 =	smul.u32 $0x4F0, s22;
	s23 =	sadd.s32 s16, s15  }
0x12: {  	s19 =	smax.u32 s19, $0x1;
	s14 =	smul.u32 $0x4F0, s14;
	s13 =	sadd.s32 s16, s13  }
0x13: {  	s11 =	sadd.s32 s17, s11;
	s20 =	sadd.s32 s16, s20;
	s21 =	sshll.u32 s13, $0x3  }
0x14: {  	s13 =	sadd.s32 s17, s14;
	s14 =	sadd.s32 s18, s21;
	s21 =	sor.u32 s2, s30  }
0x15: {  	s12 =	sadd.s32 s18, s12;
	s20 =	sshll.u32 s20, $0x3;
	s21 =	smul.u32 $0x4F0, s21  }
0x16: {  	s31 =	sshll.u32 s23, $0x3;
	s23 =	simm.s32 $0x80;
	s16 =	sadd.s32 s18, s20  }
0x17: {  	s18 =	sadd.s32 s18, s31;
	s20 =	simm.s32 $0x2780;
	s15 =	sadd.s32 s17, s21  }
0x18: {  	v0 =	vimm.f32 $0.0e+00;
	s17 =	sadd.s32 s17, s22;
	s21 =	simm.s32 $0x1;
	s22 =	simm.s32 $0x6F00  }
.LBB2_1:
0x19: {  	[tilespmem:s20], [sflag:$0x1] =	stream.linear.gather [hbm4b:s5+s3], $0x2780, $0x38;
	[tilespmem:$0x12F00] =	vst v63  }
0x1a: {  	s26 =	sand.u32 $0x7F00, s3;
	s28 =	sand.u32 $0x30, s3;
	_ =	swait.ge [sflag:s21], $0x2780  }
0x1b: {  	s29 =	sshrl.u32 s26, $0x2;
	s26 =	simm.s32 $0x40;
	[sflag:s21] =	ssyncset.done $0x0  }
0x1c: {  	s29 =	sor.u32 s28, s29;
	s28 =	simm.s32 $0x0;
	[sflag:s21] =	ssyncadd.s32 $0xFFFFD880  }
.LBB2_2:
0x1d: {  	p0 =	sne.s32 s26, $0x7FC0  }
0x1e: {  	[tilespmem:s29+$0x6F00] =	vst v0;
	s28 =	sadd.s32 $0x10, s28;
	s29 =	smov.u32 s26;
	s26 =	sadd.s32 $0x40, s26  }
.Ltmp0:
0x1f: {  	(pc) =	sbr.rel @p0 .LBB2_2-.Ltmp0, $4  }
0x20: {  	_ = 	snop  }
0x21: {  	s29 =	sand.u32 $0x7F00, s29  }
0x22: {  	s30 =	sand.u32 $0x30, s28;
	s29 =	sshrl.u32 s29, $0x2  }
0x23: {  	s29 =	sor.u32 s30, s29  }
0x24: {  	[tilespmem:s29+$0x6F00] =	vst v0  }
0x25: {  	[spmem:s6] =	stream.linear.scatter [tilespmem:s22], [sflag:$0x1], $0x2000, $0x38;
	[tilespmem:$0x12F00] =	vst v63  }
0x26: {  	_ =	swait.ge [sflag:s21], $0x2000  }
0x27: {  	[sflag:s21] =	ssyncset.done $0x0  }
0x28: {  	[sflag:s21] =	ssyncadd.s32 $0xFFFFE000  }
0x29: {  	[spmem:s7] =	stream.linear.scatter [tilespmem:s22], [sflag:$0x1], $0x2000, $0x38;
	[tilespmem:$0x12F00] =	vst v63  }
0x2a: {  	_ =	swait.ge [sflag:s21], $0x2000  }
0x2b: {  	[sflag:s21] =	ssyncset.done $0x0  }
0x2c: {  	[sflag:s21] =	ssyncadd.s32 $0xFFFFE000  }
0x2d: {  	[spmem:s8] =	stream.linear.scatter [tilespmem:s22], [sflag:$0x1], $0x2000, $0x38;
	[tilespmem:$0x12F00] =	vst v63  }
0x2e: {  	_ =	swait.ge [sflag:s21], $0x2000  }
0x2f: {  	[sflag:s21] =	ssyncset.done $0x0  }
0x30: {  	[sflag:s21] =	ssyncadd.s32 $0xFFFFE000  }
0x31: {  	[spmem:s9] =	stream.linear.scatter [tilespmem:s22], [sflag:$0x1], $0x2000, $0x38;
	[tilespmem:$0x12F00] =	vst v63  }
0x32: {  	_ =	swait.ge [sflag:s21], $0x2000  }
0x33: {  	[sflag:s21] =	ssyncset.done $0x0  }
0x34: {  	[sflag:s21] =	ssyncadd.s32 $0xFFFFE000  }
0x35: {  	[spmem:s10] =	stream.linear.scatter [tilespmem:s22], [sflag:$0x1], $0x2000, $0x38;
	[tilespmem:$0x12F00] =	vst v63  }
0x36: {  	_ =	swait.ge [sflag:s21], $0x2000  }
0x37: {  	[sflag:s21] =	ssyncset.done $0x0  }
0x38: {  	s26 =	simm.s32 $0x0;
	[sflag:s21] =	ssyncadd.s32 $0xFFFFE000  }
0x39: {  	[tilespmem:s26], [sflag:$0x1] =	stream.linear.gather [hbm4b:s11+s26], $0x2780, $0x38;
	[tilespmem:$0x12F00] =	vst v63  }
0x3a: {  	_ =	swait.ge [sflag:s21], $0x2780  }
0x3b: {  	[sflag:s21] =	ssyncset.done $0x0  }
0x3c: {  	[sflag:s21] =	ssyncadd.s32 $0xFFFFD880  }
0x3d: {  	s30 =	simm.s32 $0x0;
	[bflag:$0x0] =	sbarrier.arrive $0xFFFF  }
0x3e: {  	[tilespmem:s24], [sflag:$0x1] =	stream.indirect.gather [hbm4b:s4+s23], $0x40, s30, s23, $0xb8;
	[tilespmem:$0x12F00] =	vst v63  }
0x3f: {  	_ =	swait.ge [sflag:s21], $0x2000  }
0x40: {  	[sflag:s21] =	ssyncset.done $0x0  }
0x41: {  	s31 =	simm.s32 $0x2780;
	[sflag:s21] =	ssyncadd.s32 $0xFFFFE000  }
0x42: {  	[spmem:s1] =	stream.indirect.scatter.add.f32 [tilespmem:s24], [sflag:$0x1], $0x40, s31, s23, $0xb8;
	[tilespmem:$0x12F00] =	vst v63  }
0x43: {  	_ =	swait.ge [sflag:s21], $0x2000  }
0x44: {  	s28 =	simm.s32 $0x400;
	s26 =	simm.s32 $0x200;
	[sflag:s21] =	ssyncset.done $0x0  }
.LBB2_4:
0x45: {  	s29 =	sshra.s32 s26, $0x2  }
0x46: {  	[sflag:s21] =	ssyncadd.s32 $0xFFFFE000;
	s26 =	smov.u32 s28;
	s30 =	sadd.s32 $0x200, s28  }
0x47: {  	[tilespmem:s24], [sflag:$0x1] =	stream.indirect.gather [hbm4b:s4+s23], $0x40, s29, s23, $0xb8;
	[tilespmem:$0x12F00] =	vst v63  }
0x48: {  	p0 =	sne.s32 s28, $0x9C00;
	_ =	swait.ge [sflag:s21], $0x2000  }
.Ltmp1:
0x49: {  	[sflag:s21] =	ssyncset.done $0x0;
	(pc) =	sbr.rel @p0 .LBB2_4-.Ltmp1, $4  }
0x4a: {  	s28 =	sadd.s32 $0x2780, s29;
	[sflag:s21] =	ssyncadd.s32 $0xFFFFE000  }
0x4b: {  	[spmem:s1] =	stream.indirect.scatter.add.f32 [tilespmem:s24], [sflag:$0x1], $0x40, s28, s23, $0xb8;
	[tilespmem:$0x12F00] =	vst v63  }
0x4c: {  	_ =	swait.ge [sflag:s21], $0x2000  }
0x4d: {  	s28 =	smov.u32 s30;
	[sflag:s21] =	ssyncset.done $0x0  }
0x4e: {  	s26 =	sshra.s32 s26, $0x2;
	[sflag:s21] =	ssyncadd.s32 $0xFFFFE000  }
0x4f: {  	[tilespmem:s24], [sflag:$0x1] =	stream.indirect.gather [hbm4b:s4+s23], $0x40, s26, s23, $0xb8;
	[tilespmem:$0x12F00] =	vst v63  }
0x50: {  	_ =	swait.ge [sflag:s21], $0x2000  }
0x51: {  	[sflag:s21] =	ssyncset.done $0x0  }
0x52: {  	s26 =	sadd.s32 $0x2780, s26;
	[sflag:s21] =	ssyncadd.s32 $0xFFFFE000  }
0x53: {  	[spmem:s1] =	stream.indirect.scatter.add.f32 [tilespmem:s24], [sflag:$0x1], $0x40, s26, s23, $0xb8;
	[tilespmem:$0x12F00] =	vst v63  }
0x54: {  	_ =	swait.ge [sflag:s21], $0x2000  }
0x55: {  	[sflag:s21] =	ssyncset.done $0x0  }
0x56: {  	s31 =	sshll.u32 s2, $0x6;
	[sflag:s21] =	ssyncadd.s32 $0xFFFFE000  }
0x57: {  	s28 =	sshrl.u32 s6, $0x3;
	s26 =	sor.u32 $0x1C01, s31;
	[bflag:$0x0] =	sbarrier.arrive $0xFFFF  }
0x58: {  	[hbm:s12], [sflag:s26] =	dma.local [spmem:s28], $0x1400  }
0x59: {  	_ =	swait.ge [sflag:s21], $0x1400  }
0x5a: {  	[sflag:s21] =	ssyncset.done $0x0  }
0x5b: {  	[sflag:s21] =	ssyncadd.s32 $0xFFFFEC00  }
0x5c: {  	[bflag:$0x0] =	sbarrier.arrive $0xFFFF  }
0x5d: {  	[spmem:s6] =	stream.linear.scatter [tilespmem:s22], [sflag:$0x1], $0x2000, $0x38;
	[tilespmem:$0x12F00] =	vst v63  }
0x5e: {  	_ =	swait.ge [sflag:s21], $0x2000  }
0x5f: {  	[sflag:s21] =	ssyncset.done $0x0  }
0x60: {  	[sflag:s21] =	ssyncadd.s32 $0xFFFFE000  }
0x61: {  	[spmem:s7] =	stream.linear.scatter [tilespmem:s22], [sflag:$0x1], $0x2000, $0x38;
	[tilespmem:$0x12F00] =	vst v63  }
0x62: {  	_ =	swait.ge [sflag:s21], $0x2000  }
0x63: {  	[sflag:s21] =	ssyncset.done $0x0  }
0x64: {  	[sflag:s21] =	ssyncadd.s32 $0xFFFFE000  }
0x65: {  	[spmem:s8] =	stream.linear.scatter [tilespmem:s22], [sflag:$0x1], $0x2000, $0x38;
	[tilespmem:$0x12F00] =	vst v63  }
0x66: {  	_ =	swait.ge [sflag:s21], $0x2000  }
0x67: {  	[sflag:s21] =	ssyncset.done $0x0  }
0x68: {  	[sflag:s21] =	ssyncadd.s32 $0xFFFFE000  }
0x69: {  	[spmem:s9] =	stream.linear.scatter [tilespmem:s22], [sflag:$0x1], $0x2000, $0x38;
	[tilespmem:$0x12F00] =	vst v63  }
0x6a: {  	_ =	swait.ge [sflag:s21], $0x2000  }
0x6b: {  	[sflag:s21] =	ssyncset.done $0x0  }
0x6c: {  	[sflag:s21] =	ssyncadd.s32 $0xFFFFE000  }
0x6d: {  	[spmem:s10] =	stream.linear.scatter [tilespmem:s22], [sflag:$0x1], $0x2000, $0x38;
	[tilespmem:$0x12F00] =	vst v63  }
0x6e: {  	_ =	swait.ge [sflag:s21], $0x2000  }
0x6f: {  	[sflag:s21] =	ssyncset.done $0x0  }
0x70: {  	s29 =	simm.s32 $0x0;
	[sflag:s21] =	ssyncadd.s32 $0xFFFFE000  }
0x71: {  	[tilespmem:s29], [sflag:$0x1] =	stream.linear.gather [hbm4b:s13+s29], $0x2780, $0x38;
	[tilespmem:$0x12F00] =	vst v63  }
0x72: {  	_ =	swait.ge [sflag:s21], $0x2780  }
0x73: {  	[sflag:s21] =	ssyncset.done $0x0  }
0x74: {  	[sflag:s21] =	ssyncadd.s32 $0xFFFFD880  }
0x75: {  	s29 =	simm.s32 $0x0;
	[bflag:$0x0] =	sbarrier.arrive $0xFFFF  }
0x76: {  	[tilespmem:s24], [sflag:$0x1] =	stream.indirect.gather [hbm4b:s4+s23], $0x40, s29, s23, $0xb8;
	[tilespmem:$0x12F00] =	vst v63  }
0x77: {  	_ =	swait.ge [sflag:s21], $0x2000  }
0x78: {  	[sflag:s21] =	ssyncset.done $0x0  }
0x79: {  	s29 =	simm.s32 $0x2780;
	[sflag:s21] =	ssyncadd.s32 $0xFFFFE000  }
0x7a: {  	[spmem:s1] =	stream.indirect.scatter.add.f32 [tilespmem:s24], [sflag:$0x1], $0x40, s29, s23, $0xb8;
	[tilespmem:$0x12F00] =	vst v63  }
0x7b: {  	_ =	swait.ge [sflag:s21], $0x2000  }
0x7c: {  	s30 =	simm.s32 $0x400;
	s29 =	simm.s32 $0x200;
	[sflag:s21] =	ssyncset.done $0x0  }
.LBB2_6:
0x7d: {  	s31 =	sshra.s32 s29, $0x2  }
0x7e: {  	[sflag:s21] =	ssyncadd.s32 $0xFFFFE000;
	s29 =	smov.u32 s30;
	s0 =	sadd.s32 $0x200, s30  }
0x7f: {  	[tilespmem:s24], [sflag:$0x1] =	stream.indirect.gather [hbm4b:s4+s23], $0x40, s31, s23, $0xb8;
	[tilespmem:$0x12F00] =	vst v63  }
0x80: {  	p0 =	sne.s32 s30, $0x9C00;
	_ =	swait.ge [sflag:s21], $0x2000  }
.Ltmp2:
0x81: {  	[sflag:s21] =	ssyncset.done $0x0;
	(pc) =	sbr.rel @p0 .LBB2_6-.Ltmp2, $4  }
0x82: {  	s30 =	sadd.s32 $0x2780, s31;
	[sflag:s21] =	ssyncadd.s32 $0xFFFFE000  }
0x83: {  	[spmem:s1] =	stream.indirect.scatter.add.f32 [tilespmem:s24], [sflag:$0x1], $0x40, s30, s23, $0xb8;
	[tilespmem:$0x12F00] =	vst v63  }
0x84: {  	_ =	swait.ge [sflag:s21], $0x2000  }
0x85: {  	s30 =	smov.u32 s0;
	[sflag:s21] =	ssyncset.done $0x0  }
0x86: {  	s0 =	sshra.s32 s29, $0x2;
	[sflag:s21] =	ssyncadd.s32 $0xFFFFE000  }
0x87: {  	[tilespmem:s24], [sflag:$0x1] =	stream.indirect.gather [hbm4b:s4+s23], $0x40, s0, s23, $0xb8;
	[tilespmem:$0x12F00] =	vst v63  }
0x88: {  	_ =	swait.ge [sflag:s21], $0x2000  }
0x89: {  	[sflag:s21] =	ssyncset.done $0x0  }
0x8a: {  	s0 =	sadd.s32 $0x2780, s0;
	[sflag:s21] =	ssyncadd.s32 $0xFFFFE000  }
0x8b: {  	[spmem:s1] =	stream.indirect.scatter.add.f32 [tilespmem:s24], [sflag:$0x1], $0x40, s0, s23, $0xb8;
	[tilespmem:$0x12F00] =	vst v63  }
0x8c: {  	_ =	swait.ge [sflag:s21], $0x2000  }
0x8d: {  	[sflag:s21] =	ssyncset.done $0x0  }
0x8e: {  	[sflag:s21] =	ssyncadd.s32 $0xFFFFE000  }
0x8f: {  	[bflag:$0x0] =	sbarrier.arrive $0xFFFF  }
0x90: {  	[hbm:s14], [sflag:s26] =	dma.local [spmem:s28], $0x1400  }
0x91: {  	_ =	swait.ge [sflag:s21], $0x1400  }
0x92: {  	[sflag:s21] =	ssyncset.done $0x0  }
0x93: {  	[sflag:s21] =	ssyncadd.s32 $0xFFFFEC00  }
0x94: {  	[bflag:$0x0] =	sbarrier.arrive $0xFFFF  }
0x95: {  	[spmem:s6] =	stream.linear.scatter [tilespmem:s22], [sflag:$0x1], $0x2000, $0x38;
	[tilespmem:$0x12F00] =	vst v63  }
0x96: {  	_ =	swait.ge [sflag:s21], $0x2000  }
0x97: {  	[sflag:s21] =	ssyncset.done $0x0  }
0x98: {  	[sflag:s21] =	ssyncadd.s32 $0xFFFFE000  }
0x99: {  	[spmem:s7] =	stream.linear.scatter [tilespmem:s22], [sflag:$0x1], $0x2000, $0x38;
	[tilespmem:$0x12F00] =	vst v63  }
0x9a: {  	_ =	swait.ge [sflag:s21], $0x2000  }
0x9b: {  	[sflag:s21] =	ssyncset.done $0x0  }
0x9c: {  	[sflag:s21] =	ssyncadd.s32 $0xFFFFE000  }
0x9d: {  	[spmem:s8] =	stream.linear.scatter [tilespmem:s22], [sflag:$0x1], $0x2000, $0x38;
	[tilespmem:$0x12F00] =	vst v63  }
0x9e: {  	_ =	swait.ge [sflag:s21], $0x2000  }
0x9f: {  	[sflag:s21] =	ssyncset.done $0x0  }
0xa0: {  	[sflag:s21] =	ssyncadd.s32 $0xFFFFE000  }
0xa1: {  	[spmem:s9] =	stream.linear.scatter [tilespmem:s22], [sflag:$0x1], $0x2000, $0x38;
	[tilespmem:$0x12F00] =	vst v63  }
0xa2: {  	_ =	swait.ge [sflag:s21], $0x2000  }
0xa3: {  	[sflag:s21] =	ssyncset.done $0x0  }
0xa4: {  	[sflag:s21] =	ssyncadd.s32 $0xFFFFE000  }
0xa5: {  	[spmem:s10] =	stream.linear.scatter [tilespmem:s22], [sflag:$0x1], $0x2000, $0x38;
	[tilespmem:$0x12F00] =	vst v63  }
0xa6: {  	_ =	swait.ge [sflag:s21], $0x2000  }
0xa7: {  	[sflag:s21] =	ssyncset.done $0x0  }
0xa8: {  	s31 =	simm.s32 $0x0;
	[sflag:s21] =	ssyncadd.s32 $0xFFFFE000  }
0xa9: {  	[tilespmem:s31], [sflag:$0x1] =	stream.linear.gather [hbm4b:s15+s31], $0x2780, $0x38;
	[tilespmem:$0x12F00] =	vst v63  }
0xaa: {  	_ =	swait.ge [sflag:s21], $0x2780  }
0xab: {  	[sflag:s21] =	ssyncset.done $0x0  }
0xac: {  	[sflag:s21] =	ssyncadd.s32 $0xFFFFD880  }
0xad: {  	s31 =	simm.s32 $0x0;
	[bflag:$0x0] =	sbarrier.arrive $0xFFFF  }
0xae: {  	[tilespmem:s24], [sflag:$0x1] =	stream.indirect.gather [hbm4b:s4+s23], $0x40, s31, s23, $0xb8;
	[tilespmem:$0x12F00] =	vst v63  }
0xaf: {  	_ =	swait.ge [sflag:s21], $0x2000  }
0xb0: {  	[sflag:s21] =	ssyncset.done $0x0  }
0xb1: {  	s31 =	simm.s32 $0x2780;
	[sflag:s21] =	ssyncadd.s32 $0xFFFFE000  }
0xb2: {  	[spmem:s1] =	stream.indirect.scatter.add.f32 [tilespmem:s24], [sflag:$0x1], $0x40, s31, s23, $0xb8;
	[tilespmem:$0x12F00] =	vst v63  }
0xb3: {  	_ =	swait.ge [sflag:s21], $0x2000  }
0xb4: {  	s29 =	simm.s32 $0x200;
	s30 =	simm.s32 $0x400;
	[sflag:s21] =	ssyncset.done $0x0  }
.LBB2_8:
0xb5: {  	s0 =	sshra.s32 s29, $0x2  }
0xb6: {  	[sflag:s21] =	ssyncadd.s32 $0xFFFFE000;
	s29 =	smov.u32 s30;
	s31 =	sadd.s32 $0x200, s30  }
0xb7: {  	[tilespmem:s24], [sflag:$0x1] =	stream.indirect.gather [hbm4b:s4+s23], $0x40, s0, s23, $0xb8;
	[tilespmem:$0x12F00] =	vst v63  }
0xb8: {  	p0 =	sne.s32 s30, $0x9C00;
	_ =	swait.ge [sflag:s21], $0x2000  }
.Ltmp3:
0xb9: {  	[sflag:s21] =	ssyncset.done $0x0;
	(pc) =	sbr.rel @p0 .LBB2_8-.Ltmp3, $4  }
0xba: {  	s0 =	sadd.s32 $0x2780, s0;
	[sflag:s21] =	ssyncadd.s32 $0xFFFFE000  }
0xbb: {  	[spmem:s1] =	stream.indirect.scatter.add.f32 [tilespmem:s24], [sflag:$0x1], $0x40, s0, s23, $0xb8;
	[tilespmem:$0x12F00] =	vst v63  }
0xbc: {  	_ =	swait.ge [sflag:s21], $0x2000  }
0xbd: {  	s30 =	smov.u32 s31;
	[sflag:s21] =	ssyncset.done $0x0  }
0xbe: {  	s0 =	sshra.s32 s29, $0x2;
	[sflag:s21] =	ssyncadd.s32 $0xFFFFE000  }
0xbf: {  	[tilespmem:s24], [sflag:$0x1] =	stream.indirect.gather [hbm4b:s4+s23], $0x40, s0, s23, $0xb8;
	[tilespmem:$0x12F00] =	vst v63  }
0xc0: {  	_ =	swait.ge [sflag:s21], $0x2000  }
0xc1: {  	[sflag:s21] =	ssyncset.done $0x0  }
0xc2: {  	s0 =	sadd.s32 $0x2780, s0;
	[sflag:s21] =	ssyncadd.s32 $0xFFFFE000  }
0xc3: {  	[spmem:s1] =	stream.indirect.scatter.add.f32 [tilespmem:s24], [sflag:$0x1], $0x40, s0, s23, $0xb8;
	[tilespmem:$0x12F00] =	vst v63  }
0xc4: {  	_ =	swait.ge [sflag:s21], $0x2000  }
0xc5: {  	[sflag:s21] =	ssyncset.done $0x0  }
0xc6: {  	[sflag:s21] =	ssyncadd.s32 $0xFFFFE000  }
0xc7: {  	[bflag:$0x0] =	sbarrier.arrive $0xFFFF  }
0xc8: {  	[hbm:s16], [sflag:s26] =	dma.local [spmem:s28], $0x1400  }
0xc9: {  	_ =	swait.ge [sflag:s21], $0x1400  }
0xca: {  	[sflag:s21] =	ssyncset.done $0x0  }
0xcb: {  	[sflag:s21] =	ssyncadd.s32 $0xFFFFEC00  }
0xcc: {  	[bflag:$0x0] =	sbarrier.arrive $0xFFFF  }
0xcd: {  	[spmem:s6] =	stream.linear.scatter [tilespmem:s22], [sflag:$0x1], $0x2000, $0x38;
	[tilespmem:$0x12F00] =	vst v63  }
0xce: {  	_ =	swait.ge [sflag:s21], $0x2000  }
0xcf: {  	[sflag:s21] =	ssyncset.done $0x0  }
0xd0: {  	[sflag:s21] =	ssyncadd.s32 $0xFFFFE000  }
0xd1: {  	[spmem:s7] =	stream.linear.scatter [tilespmem:s22], [sflag:$0x1], $0x2000, $0x38;
	[tilespmem:$0x12F00] =	vst v63  }
0xd2: {  	_ =	swait.ge [sflag:s21], $0x2000  }
0xd3: {  	[sflag:s21] =	ssyncset.done $0x0  }
0xd4: {  	[sflag:s21] =	ssyncadd.s32 $0xFFFFE000  }
0xd5: {  	[spmem:s8] =	stream.linear.scatter [tilespmem:s22], [sflag:$0x1], $0x2000, $0x38;
	[tilespmem:$0x12F00] =	vst v63  }
0xd6: {  	_ =	swait.ge [sflag:s21], $0x2000  }
0xd7: {  	[sflag:s21] =	ssyncset.done $0x0  }
0xd8: {  	[sflag:s21] =	ssyncadd.s32 $0xFFFFE000  }
0xd9: {  	[spmem:s9] =	stream.linear.scatter [tilespmem:s22], [sflag:$0x1], $0x2000, $0x38;
	[tilespmem:$0x12F00] =	vst v63  }
0xda: {  	_ =	swait.ge [sflag:s21], $0x2000  }
0xdb: {  	[sflag:s21] =	ssyncset.done $0x0  }
0xdc: {  	[sflag:s21] =	ssyncadd.s32 $0xFFFFE000  }
0xdd: {  	[spmem:s10] =	stream.linear.scatter [tilespmem:s22], [sflag:$0x1], $0x2000, $0x38;
	[tilespmem:$0x12F00] =	vst v63  }
0xde: {  	_ =	swait.ge [sflag:s21], $0x2000  }
0xdf: {  	[sflag:s21] =	ssyncset.done $0x0  }
0xe0: {  	s31 =	simm.s32 $0x0;
	[sflag:s21] =	ssyncadd.s32 $0xFFFFE000  }
0xe1: {  	[tilespmem:s31], [sflag:$0x1] =	stream.linear.gather [hbm4b:s17+s31], $0x2780, $0x38;
	[tilespmem:$0x12F00] =	vst v63  }
0xe2: {  	_ =	swait.ge [sflag:s21], $0x2780  }
0xe3: {  	[sflag:s21] =	ssyncset.done $0x0  }
0xe4: {  	[sflag:s21] =	ssyncadd.s32 $0xFFFFD880  }
0xe5: {  	s31 =	simm.s32 $0x0;
	[bflag:$0x0] =	sbarrier.arrive $0xFFFF  }
0xe6: {  	[tilespmem:s24], [sflag:$0x1] =	stream.indirect.gather [hbm4b:s4+s23], $0x40, s31, s23, $0xb8;
	[tilespmem:$0x12F00] =	vst v63  }
0xe7: {  	_ =	swait.ge [sflag:s21], $0x2000  }
0xe8: {  	[sflag:s21] =	ssyncset.done $0x0  }
0xe9: {  	s31 =	simm.s32 $0x2780;
	[sflag:s21] =	ssyncadd.s32 $0xFFFFE000  }
0xea: {  	[spmem:s1] =	stream.indirect.scatter.add.f32 [tilespmem:s24], [sflag:$0x1], $0x40, s31, s23, $0xb8;
	[tilespmem:$0x12F00] =	vst v63  }
0xeb: {  	_ =	swait.ge [sflag:s21], $0x2000  }
0xec: {  	s29 =	simm.s32 $0x200;
	s30 =	simm.s32 $0x400;
	[sflag:s21] =	ssyncset.done $0x0  }
.LBB2_10:
0xed: {  	s0 =	sshra.s32 s29, $0x2  }
0xee: {  	[sflag:s21] =	ssyncadd.s32 $0xFFFFE000;
	s29 =	smov.u32 s30;
	s31 =	sadd.s32 $0x200, s30  }
0xef: {  	[tilespmem:s24], [sflag:$0x1] =	stream.indirect.gather [hbm4b:s4+s23], $0x40, s0, s23, $0xb8;
	[tilespmem:$0x12F00] =	vst v63  }
0xf0: {  	p0 =	sne.s32 s30, $0x9C00;
	_ =	swait.ge [sflag:s21], $0x2000  }
.Ltmp4:
0xf1: {  	[sflag:s21] =	ssyncset.done $0x0;
	(pc) =	sbr.rel @p0 .LBB2_10-.Ltmp4, $4  }
0xf2: {  	s0 =	sadd.s32 $0x2780, s0;
	[sflag:s21] =	ssyncadd.s32 $0xFFFFE000  }
0xf3: {  	[spmem:s1] =	stream.indirect.scatter.add.f32 [tilespmem:s24], [sflag:$0x1], $0x40, s0, s23, $0xb8;
	[tilespmem:$0x12F00] =	vst v63  }
0xf4: {  	_ =	swait.ge [sflag:s21], $0x2000  }
0xf5: {  	s30 =	smov.u32 s31;
	[sflag:s21] =	ssyncset.done $0x0  }
0xf6: {  	s0 =	sshra.s32 s29, $0x2;
	[sflag:s21] =	ssyncadd.s32 $0xFFFFE000  }
0xf7: {  	[tilespmem:s24], [sflag:$0x1] =	stream.indirect.gather [hbm4b:s4+s23], $0x40, s0, s23, $0xb8;
	[tilespmem:$0x12F00] =	vst v63  }
0xf8: {  	_ =	swait.ge [sflag:s21], $0x2000  }
0xf9: {  	[sflag:s21] =	ssyncset.done $0x0  }
0xfa: {  	s0 =	sadd.s32 $0x2780, s0;
	[sflag:s21] =	ssyncadd.s32 $0xFFFFE000  }
0xfb: {  	[spmem:s1] =	stream.indirect.scatter.add.f32 [tilespmem:s24], [sflag:$0x1], $0x40, s0, s23, $0xb8;
	[tilespmem:$0x12F00] =	vst v63  }
0xfc: {  	_ =	swait.ge [sflag:s21], $0x2000  }
0xfd: {  	[sflag:s21] =	ssyncset.done $0x0  }
0xfe: {  	s25 =	sadd.s32 $0x1, s25;
	[sflag:s21] =	ssyncadd.s32 $0xFFFFE000  }
0xff: {  	p0 =	sne.s32 s25, s19;
	[bflag:$0x0] =	sbarrier.arrive $0xFFFF  }
0x100: {  	[hbm:s18], [sflag:s26] =	dma.local [spmem:s28], $0x1400  }
.Ltmp5:
0x101: {  	_ =	swait.ge [sflag:s21], $0x1400;
	(pc) =	sbr.rel @p0 .LBB2_1-.Ltmp5, $3  }
0x102: {  	[sflag:s21] =	ssyncset.done $0x0  }
0x103: {  	[sflag:s21] =	ssyncadd.s32 $0xFFFFEC00  }
0x104: {  	[bflag:$0x0] =	sbarrier.arrive $0xFFFF;
	_ =	sdelay $0x1  }
0x105: {  	_ =	sfence.sel $0x180000  }
0x106: {  	[bflag:$0x0] =	sbarrier.arrive $0xFFFF  }
0x107: {  	_ =	strace $0x9000004A  }
0x108: {  	[bflag:$0x2] =	sbarrier.arrive $0xFFFF  }
0x109: {  	p0 =	sne.s32 s2, $0x0;
	s0 =	rddreg [dreg:$0x3]  }
0x10a: {  	s0 =	sadd.s32 @!p0 $0x100000, s0  }
0x10b: {  	[sflag:s0] =	ssyncadd.tile.s32 @!p0 $0x1;
	_ =	shalt  }
.Lfunc_end2:
_tile_overlayer_lowered:
.L_overlay_start_2:
0x10c: {  	(tag) =	ssettag $0x2  }
0x10d: {  	s0 =	rddreg [dreg:$0x0];
	s2 =	stileid.u32  }
0x10e: {  	s1 =	rddreg [dreg:$0x1];
	p0 =	sne.s32 s2, $0x0  }
0x10f: {  	s3 =	rddreg [dreg:$0x2];
	[bflag:$0x3] =	sbarrier.arrive $0xFFFF;
	s2 =	simm.s32 @!p0 $0x1C01  }
0x110: {  	[timem:s3], [sflag:s2] =	dma.local @!p0 [hbm:s0], s1  }
0x111: {  	s0 =	simm.s32 @!p0 $0x1  }
0x112: {  	_ =	swait.ge @!p0 [sflag:s0], s1  }
0x113: {  	s1 =	ssub.s32 @!p0 $0x0, s1;
	[sflag:s0] =	ssyncset.done @!p0 $0x0  }
0x114: {  	[sflag:s0] =	ssyncadd.s32 @!p0 s1  }
0x115: {  	[bflag:$0x3] =	sbarrier.arrive $0xFFFF  }
0x116: {  	_ =	shalt  }

</sc_bundles>
